<compile_context>
chip_gen: v7x
topology: tpu7x:2x2x1
jax: 0.10.2.dev20260603
libtpu: 0.0.44.dev20260713+nightly
codegen_flags: <defaults>
</compile_context>

<pallas_src>
import functools

import jax
import jax.numpy as jnp
from jax import lax
from jax.experimental import pallas as pl
from jax.experimental.pallas import tpu as pltpu
from jax.experimental.pallas import tpu_sc as plsc

DIM = 16


def _dyn_gather(v, idx):
    dnums = lax.GatherDimensionNumbers(
        offset_dims=(), collapsed_slice_dims=(0,), start_index_map=(0,)
    )
    return lax.gather(
        v,
        idx[:, None],
        dnums,
        slice_sizes=(1,),
        mode=lax.GatherScatterMode.PROMISE_IN_BOUNDS,
    )


def _transpose16(vs, iota):
    vs = list(vs)
    for s in (1, 2, 4, 8):
        perm = iota ^ s
        mask = (iota & s) == 0
        nxt = list(vs)
        for i in range(DIM):
            if i & s == 0:
                a, b = vs[i], vs[i | s]
                nxt[i] = jnp.where(mask, a, _dyn_gather(b, perm))
                nxt[i | s] = jnp.where(mask, _dyn_gather(a, perm), b)
        vs = nxt
    return vs


_info = plsc.get_sparse_core_info()
_NC, _NS, _NL = _info.num_cores, _info.num_subcores, _info.num_lanes
_NW = _NC * _NS


@functools.lru_cache(maxsize=None)
def _build(batch: int, hist: int, vocab: int):
    bpw = batch // _NW

    mesh = plsc.VectorSubcoreMesh(core_axis_name="c", subcore_axis_name="s")

    half = bpw // 2
    n_fire_h = half // 128
    n_hgroups = half // _NL

    @functools.partial(
        pl.kernel,
        mesh=mesh,
        compiler_params=pltpu.CompilerParams(use_tc_tiling_on_sc=True),
        out_type=jax.ShapeDtypeStruct((hist, DIM, batch), jnp.float32),
        scratch_types=[
            pltpu.VMEM((half,), jnp.int32),
            pltpu.VMEM((half,), jnp.int32),
            pltpu.VMEM((half,), jnp.int32),
            pltpu.VMEM((half,), jnp.int32),
            pltpu.VMEM((half, 8 * DIM), jnp.float32),
            pltpu.VMEM((half, 8 * DIM), jnp.float32),
            pltpu.VMEM((DIM, bpw), jnp.float32),
            pltpu.SemaphoreType.DMA,
            pltpu.SemaphoreType.DMA,
        ],
    )
    def k(xt_hbm, w_hbm, out_hbm, idx0, idx1, pidx0, pidx1, rows0, rows1,
          out_v, sem0, sem1):
        idxs = (idx0, idx1)
        pidxs = (pidx0, pidx1)
        rows = (rows0, rows1)
        sems = (sem0, sem1)
        wid = lax.axis_index("s") * _NC + lax.axis_index("c")
        b0 = wid * bpw
        iota = lax.iota(jnp.int32, _NL)

        def prep(h, hb, buf):
            pltpu.sync_copy(xt_hbm.at[h, pl.ds(b0 + hb * half, half)],
                            idxs[buf])

            def pidx_body(g, c0):
                sl = pl.ds(g * _NL, _NL)
                pidxs[buf][sl] = idxs[buf][sl] >> 3
                return c0

            lax.fori_loop(0, n_hgroups, pidx_body, 0)
            for j in range(n_fire_h):
                pltpu.async_copy(
                    w_hbm.at[pidxs[buf].at[pl.ds(j * 128, 128)]],
                    rows[buf].at[pl.ds(j * 128, 128)],
                    sems[buf],
                )

        prep(0, 0, 0)

        def h_body(h, carry):
            for b in (0, 1):
                for j in range(n_fire_h):
                    pltpu.make_async_copy(
                        w_hbm.at[pidxs[b].at[pl.ds(j * 128, 128)]],
                        rows[b].at[pl.ds(j * 128, 128)],
                        sems[b],
                    ).wait()
                if b == 0:
                    prep(h, 1, 1)
                else:
                    @pl.when(h + 1 < hist)
                    def _():
                        prep(h + 1, 0, 0)

                def group_body(g, c1):
                    gb = g * _NL
                    idx16 = idxs[b][pl.ds(gb, _NL)]
                    es = []
                    for r in range(_NL):
                        sub = (idx16[r] & 7) * DIM
                        es.append(rows[b][gb + r, pl.ds(sub, DIM)])
                    cs = _transpose16(es, iota)
                    pad = idx16 == 0
                    zero = jnp.zeros((_NL,), jnp.float32)
                    for d in range(DIM):
                        out_v[d, pl.ds(b * half + gb, _NL)] = jnp.where(
                            pad, zero, cs[d])
                    return c1

                lax.fori_loop(0, n_hgroups, group_body, 0)
            pltpu.sync_copy(out_v, out_hbm.at[h, :, pl.ds(b0, bpw)])
            return carry

        lax.fori_loop(0, hist, h_body, 0)

    return k


def _repack_body(wt_ref, out_ref):
    blk = wt_ref[...]
    e = jnp.exp(blk)
    y = e / jnp.sum(e, axis=0, keepdims=True)
    v = y.T
    v3 = v.reshape(v.shape[0] // 8, 8, 16)
    for k in range(8):
        out_ref[:, k * 16:(k + 1) * 16] = v3[:, k, :]


@functools.lru_cache(maxsize=None)
def _build_repack(vocab: int, dim: int, bk: int):
    grid = pl.cdiv(vocab, bk)
    return pl.pallas_call(
        _repack_body,
        grid=(grid,),
        in_specs=[pl.BlockSpec((dim, bk), lambda i: (0, i))],
        out_specs=pl.BlockSpec((bk // 8, 8 * dim), lambda i: (i, 0)),
        out_shape=jax.ShapeDtypeStruct((vocab // 8, 8 * dim), jnp.float32),
    )


def kernel(x, weight):
    b, h = x.shape
    vocab, dim = weight.shape
    w128 = _build_repack(vocab, dim, 8192)(weight.T)
    yt = _build(b, h, vocab)(x.T, w128)
    return jnp.transpose(yt, (2, 0, 1))

# --- scband reference (transcript-rebuilt; emitter-appended) ---
"""Pipeline reference for scband-stochastic-embedding-46308337385746 (READ-ONLY COPY).

The authoritative reference and input builder live on the scoring server;
editing this copy changes nothing except your own understanding.
"""

import jax, jax.numpy as jnp
import numpy as np
import math

VOCAB = 1000000
DIM = 16
BATCH = 16384
HIST = 50

def setup_inputs(seed: int = 0) -> dict:
    key = jax.random.key(seed)
    k1, k2 = jax.random.split(key)
    # NormalConfig: mean=0.0, std = 1/sqrt((dim1+dim2)/2)
    std = 1.0 / math.sqrt((VOCAB + DIM) / 2.0)
    weight = jax.random.normal(k1, (VOCAB, DIM), dtype=jnp.float32) * std
    x = jax.random.randint(k2, (BATCH, HIST), 0, VOCAB, dtype=jnp.int32)
    return {"x": x, "weight": weight}

def reference(x, weight):
    # softmax over the embedding dimension (dim=-1)
    w = jax.nn.softmax(weight, axis=-1)
    # index_fill(weight, 0, [0], 0.0): zero out the padding row (row 0)
    w = w.at[0].set(0.0)
    # F.embedding(x, weight, padding_idx=0): gather rows; row 0 already zeroed
    y = jnp.take(w, x, axis=0)
    return y

if __name__ == "__main__":
    import jax
    _d = setup_inputs()
    print(jax.jit(kernel)(*tuple(_d.values())))

</pallas_src>

<mosaic_0001>
#map = affine_map<(d0, d1) -> (0, 0)>
#map1 = affine_map<(d0, d1) -> (0, 0, 0)>
module attributes {stable_mosaic.version = 14 : i64} {
  func.func @k(%arg0: i32, %arg1: i32, %arg2: memref<50x16384xi32, #tpu.memory_space<hbm>>, %arg3: memref<125000x128xf32, #tpu.memory_space<hbm>>, %arg4: memref<50x16x16384xf32, #tpu.memory_space<hbm>>, %arg5: memref<256xi32, #tpu.memory_space<vmem>>, %arg6: memref<256xi32, #tpu.memory_space<vmem>>, %arg7: memref<256xi32, #tpu.memory_space<vmem>>, %arg8: memref<256xi32, #tpu.memory_space<vmem>>, %arg9: memref<256x128xf32, #tpu.memory_space<vmem>>, %arg10: memref<256x128xf32, #tpu.memory_space<vmem>>, %arg11: memref<16x512xf32, #tpu.memory_space<vmem>>, %arg12: memref<!tpu.dma_semaphore, #tpu.memory_space<semaphore_mem>>, %arg13: memref<!tpu.dma_semaphore, #tpu.memory_space<semaphore_mem>>) attributes {dimension_semantics = [#tpu.dimension_semantics<core_parallel>, #tpu.dimension_semantics<subcore_parallel>], iteration_bounds = array<i64: 2, 16>, scalar_prefetch = 0 : i64, scratch_operands = 9 : i64, tpu.core_type = #tpu.core_type<sc_vector_subcore>, window_params = [{transform_indices = #map}, {transform_indices = #map}, {transform_indices = #map1}]} {
    %mul3A = arith.constant 2 : i32
    %mul3A_0 = arith.muli %arg1, %mul3A : i32
    %add3A = arith.addi %mul3A_0, %arg0 : i32
    %mul3A_1 = arith.constant 512 : i32
    %mul3A_2 = arith.muli %add3A, %mul3A_1 : i32
    %iota3A = tpu.iota {dimensions = array<i32: 0>} : vector<16xi32>
    %add3A_3 = arith.constant 0 : i32
    %add3A_4 = arith.addi %mul3A_2, %add3A_3 : i32
    %run_scoped3A = arith.constant 0 : i32
    "tpu.region"() ({
      %run_scoped3A_31 = tpu.sem_alloc : memref<!tpu.dma_semaphore, #tpu.memory_space<semaphore_mem>>
      %dma_start3A_32 = tpu.memref_slice %arg2[%run_scoped3A, %add3A_4] : memref<50x16384xi32, #tpu.memory_space<hbm>> -> memref<1x256xi32, #tpu.memory_space<hbm>>
      %dma_start3A_33 = tpu.memref_squeeze %dma_start3A_32 : memref<1x256xi32, #tpu.memory_space<hbm>> -> memref<256xi32, #tpu.memory_space<hbm>>
      %dma_start3A_34 = tpu.memref_slice %arg2[%run_scoped3A, %add3A_4] : memref<50x16384xi32, #tpu.memory_space<hbm>> -> memref<1x256xi32, #tpu.memory_space<hbm>>
      %dma_start3A_35 = tpu.memref_squeeze %dma_start3A_34 : memref<1x256xi32, #tpu.memory_space<hbm>> -> memref<256xi32, #tpu.memory_space<hbm>>
      tpu.enqueue_dma source(%dma_start3A_35 : memref<256xi32, #tpu.memory_space<hbm>>) target(%arg5 : memref<256xi32, #tpu.memory_space<vmem>>) target_semaphore(%run_scoped3A_31 : memref<!tpu.dma_semaphore, #tpu.memory_space<semaphore_mem>>)
      %dma_wait3A = tpu.memref_slice %arg2[%run_scoped3A, %add3A_4] : memref<50x16384xi32, #tpu.memory_space<hbm>> -> memref<1x256xi32, #tpu.memory_space<hbm>>
      %dma_wait3A_36 = tpu.memref_squeeze %dma_wait3A : memref<1x256xi32, #tpu.memory_space<hbm>> -> memref<256xi32, #tpu.memory_space<hbm>>
      %dma_wait3A_37 = tpu.memref_slice %arg2[%run_scoped3A, %add3A_4] : memref<50x16384xi32, #tpu.memory_space<hbm>> -> memref<1x256xi32, #tpu.memory_space<hbm>>
      %dma_wait3A_38 = tpu.memref_squeeze %dma_wait3A_37 : memref<1x256xi32, #tpu.memory_space<hbm>> -> memref<256xi32, #tpu.memory_space<hbm>>
      tpu.wait_dma2 semaphore(%run_scoped3A_31 : memref<!tpu.dma_semaphore, #tpu.memory_space<semaphore_mem>>) src(%dma_wait3A_38 : memref<256xi32, #tpu.memory_space<hbm>>) dst(%arg5 : memref<256xi32, #tpu.memory_space<vmem>>)
      tpu.yield
    }) : () -> ()
    %scan3A = arith.constant 0 : i32
    %scan3A_5 = arith.constant 0 : i32
    %scan3A_6 = arith.constant 16 : i32
    %scan3A_7 = arith.addi %scan3A_5, %scan3A_6 : i32
    %scan3A_8 = arith.constant 1 : i32
    scf.for %scan3A_31 = %scan3A_5 to %scan3A_7 step %scan3A_8  : i32 {
      %mul3A_32 = arith.constant 16 : i32
      %mul3A_33 = arith.muli %scan3A_31, %mul3A_32 : i32
      %get3A = arith.index_cast %mul3A_33 : i32 to index
      %get3A_34 = tpu.vector_load %arg5[%get3A] {strides = array<i32>} : memref<256xi32, #tpu.memory_space<vmem>>, vector<16xi32>,
      %get3A_35 = vector.shape_cast %get3A_34 : vector<16xi32> to vector<16xi32>
      %shift_right_arithmetic3A = arith.constant 3 : i32
      %shift_right_arithmetic3A_36 = vector.broadcast %shift_right_arithmetic3A : i32 to vector<16xi32>
      %shift_right_arithmetic3A_37 = arith.shrsi %get3A_35, %shift_right_arithmetic3A_36 : vector<16xi32>
      %swap3A = arith.index_cast %mul3A_33 : i32 to index
      %swap3A_38 = tpu.vector_load %arg7[%swap3A] {strides = array<i32>} : memref<256xi32, #tpu.memory_space<vmem>>, vector<16xi32>,
      %swap3A_39 = vector.shape_cast %swap3A_38 : vector<16xi32> to vector<16xi32>
      %swap3A_40 = vector.shape_cast %shift_right_arithmetic3A_37 : vector<16xi32> to vector<16xi32>
      tpu.vector_store %arg7[%swap3A], %swap3A_40 {strides = array<i32>} : memref<256xi32, #tpu.memory_space<vmem>>, vector<16xi32>,
    }
    %scan3A_9 = arith.constant 16 : i32
    %dma_start3A = arith.constant 0 : i32
    %dma_start3A_10 = arith.constant 0 : i32
    %dma_start3A_11 = tpu.memref_slice %arg9[%dma_start3A, %dma_start3A_10] : memref<256x128xf32, #tpu.memory_space<vmem>> -> memref<128x128xf32, #tpu.memory_space<vmem>>
    %dma_start3A_12 = arith.constant 0 : i32
    %dma_start3A_13 = tpu.memref_slice %arg7[%dma_start3A_12] : memref<256xi32, #tpu.memory_space<vmem>> -> memref<128xi32, #tpu.memory_space<vmem>>
    %dma_start3A_14 = arith.constant 0 : i32
    %dma_start3A_15 = arith.constant 0 : i32
    %dma_start3A_16 = tpu.memref_slice %arg3[%dma_start3A_14, %dma_start3A_15] : memref<125000x128xf32, #tpu.memory_space<hbm>> -> memref<125000x128xf32, #tpu.memory_space<hbm>>
    tpu.enqueue_indirect_dma source(%dma_start3A_16 : memref<125000x128xf32, #tpu.memory_space<hbm>>) target(%dma_start3A_11 : memref<128x128xf32, #tpu.memory_space<vmem>>) offsets(%dma_start3A_13 : memref<128xi32, #tpu.memory_space<vmem>>) semaphore(%arg12 : memref<!tpu.dma_semaphore, #tpu.memory_space<semaphore_mem>>)
    %dma_start3A_17 = arith.constant 128 : i32
    %dma_start3A_18 = arith.constant 0 : i32
    %dma_start3A_19 = tpu.memref_slice %arg9[%dma_start3A_17, %dma_start3A_18] : memref<256x128xf32, #tpu.memory_space<vmem>> -> memref<128x128xf32, #tpu.memory_space<vmem>>
    %dma_start3A_20 = arith.constant 128 : i32
    %dma_start3A_21 = tpu.memref_slice %arg7[%dma_start3A_20] : memref<256xi32, #tpu.memory_space<vmem>> -> memref<128xi32, #tpu.memory_space<vmem>>
    %dma_start3A_22 = arith.constant 0 : i32
    %dma_start3A_23 = arith.constant 0 : i32
    %dma_start3A_24 = tpu.memref_slice %arg3[%dma_start3A_22, %dma_start3A_23] : memref<125000x128xf32, #tpu.memory_space<hbm>> -> memref<125000x128xf32, #tpu.memory_space<hbm>>
    tpu.enqueue_indirect_dma source(%dma_start3A_24 : memref<125000x128xf32, #tpu.memory_space<hbm>>) target(%dma_start3A_19 : memref<128x128xf32, #tpu.memory_space<vmem>>) offsets(%dma_start3A_21 : memref<128xi32, #tpu.memory_space<vmem>>) semaphore(%arg12 : memref<!tpu.dma_semaphore, #tpu.memory_space<semaphore_mem>>)
    %scan3A_25 = arith.constant 0 : i32
    %scan3A_26 = arith.constant 0 : i32
    %scan3A_27 = arith.constant 50 : i32
    %scan3A_28 = arith.addi %scan3A_26, %scan3A_27 : i32
    %scan3A_29 = arith.constant 1 : i32
    scf.for %scan3A_31 = %scan3A_26 to %scan3A_28 step %scan3A_29  : i32 {
      %dma_wait3A = arith.constant 0 : i32
      %dma_wait3A_32 = arith.constant 0 : i32
      %dma_wait3A_33 = tpu.memref_slice %arg9[%dma_wait3A, %dma_wait3A_32] : memref<256x128xf32, #tpu.memory_space<vmem>> -> memref<128x128xf32, #tpu.memory_space<vmem>>
      %dma_wait3A_34 = arith.constant 0 : i32
      %dma_wait3A_35 = tpu.memref_slice %arg7[%dma_wait3A_34] : memref<256xi32, #tpu.memory_space<vmem>> -> memref<128xi32, #tpu.memory_space<vmem>>
      %dma_wait3A_36 = arith.constant 0 : i32
      %dma_wait3A_37 = arith.constant 0 : i32
      %dma_wait3A_38 = tpu.memref_slice %arg3[%dma_wait3A_36, %dma_wait3A_37] : memref<125000x128xf32, #tpu.memory_space<hbm>> -> memref<125000x128xf32, #tpu.memory_space<hbm>>
      tpu.wait_indirect_dma semaphore(%arg12 : memref<!tpu.dma_semaphore, #tpu.memory_space<semaphore_mem>>) src(%dma_wait3A_38 : memref<125000x128xf32, #tpu.memory_space<hbm>>) dst(%dma_wait3A_33 : memref<128x128xf32, #tpu.memory_space<vmem>>)
      %dma_wait3A_39 = arith.constant 128 : i32
      %dma_wait3A_40 = arith.constant 0 : i32
      %dma_wait3A_41 = tpu.memref_slice %arg9[%dma_wait3A_39, %dma_wait3A_40] : memref<256x128xf32, #tpu.memory_space<vmem>> -> memref<128x128xf32, #tpu.memory_space<vmem>>
      %dma_wait3A_42 = arith.constant 128 : i32
      %dma_wait3A_43 = tpu.memref_slice %arg7[%dma_wait3A_42] : memref<256xi32, #tpu.memory_space<vmem>> -> memref<128xi32, #tpu.memory_space<vmem>>
      %dma_wait3A_44 = arith.constant 0 : i32
      %dma_wait3A_45 = arith.constant 0 : i32
      %dma_wait3A_46 = tpu.memref_slice %arg3[%dma_wait3A_44, %dma_wait3A_45] : memref<125000x128xf32, #tpu.memory_space<hbm>> -> memref<125000x128xf32, #tpu.memory_space<hbm>>
      tpu.wait_indirect_dma semaphore(%arg12 : memref<!tpu.dma_semaphore, #tpu.memory_space<semaphore_mem>>) src(%dma_wait3A_46 : memref<125000x128xf32, #tpu.memory_space<hbm>>) dst(%dma_wait3A_41 : memref<128x128xf32, #tpu.memory_space<vmem>>)
      %add3A_47 = arith.constant 256 : i32
      %add3A_48 = arith.addi %mul3A_2, %add3A_47 : i32
      "tpu.region"() ({
        %run_scoped3A_103 = tpu.sem_alloc : memref<!tpu.dma_semaphore, #tpu.memory_space<semaphore_mem>>
        %dma_start3A_104 = tpu.memref_slice %arg2[%scan3A_31, %add3A_48] : memref<50x16384xi32, #tpu.memory_space<hbm>> -> memref<1x256xi32, #tpu.memory_space<hbm>>
        %dma_start3A_105 = tpu.memref_squeeze %dma_start3A_104 : memref<1x256xi32, #tpu.memory_space<hbm>> -> memref<256xi32, #tpu.memory_space<hbm>>
        %dma_start3A_106 = tpu.memref_slice %arg2[%scan3A_31, %add3A_48] : memref<50x16384xi32, #tpu.memory_space<hbm>> -> memref<1x256xi32, #tpu.memory_space<hbm>>
        %dma_start3A_107 = tpu.memref_squeeze %dma_start3A_106 : memref<1x256xi32, #tpu.memory_space<hbm>> -> memref<256xi32, #tpu.memory_space<hbm>>
        tpu.enqueue_dma source(%dma_start3A_107 : memref<256xi32, #tpu.memory_space<hbm>>) target(%arg6 : memref<256xi32, #tpu.memory_space<vmem>>) target_semaphore(%run_scoped3A_103 : memref<!tpu.dma_semaphore, #tpu.memory_space<semaphore_mem>>)
        %dma_wait3A_108 = tpu.memref_slice %arg2[%scan3A_31, %add3A_48] : memref<50x16384xi32, #tpu.memory_space<hbm>> -> memref<1x256xi32, #tpu.memory_space<hbm>>
        %dma_wait3A_109 = tpu.memref_squeeze %dma_wait3A_108 : memref<1x256xi32, #tpu.memory_space<hbm>> -> memref<256xi32, #tpu.memory_space<hbm>>
        %dma_wait3A_110 = tpu.memref_slice %arg2[%scan3A_31, %add3A_48] : memref<50x16384xi32, #tpu.memory_space<hbm>> -> memref<1x256xi32, #tpu.memory_space<hbm>>
        %dma_wait3A_111 = tpu.memref_squeeze %dma_wait3A_110 : memref<1x256xi32, #tpu.memory_space<hbm>> -> memref<256xi32, #tpu.memory_space<hbm>>
        tpu.wait_dma2 semaphore(%run_scoped3A_103 : memref<!tpu.dma_semaphore, #tpu.memory_space<semaphore_mem>>) src(%dma_wait3A_111 : memref<256xi32, #tpu.memory_space<hbm>>) dst(%arg6 : memref<256xi32, #tpu.memory_space<vmem>>)
        tpu.yield
      }) : () -> ()
      %scan3A_49 = arith.constant 0 : i32
      %scan3A_50 = arith.constant 0 : i32
      %scan3A_51 = arith.constant 16 : i32
      %scan3A_52 = arith.addi %scan3A_50, %scan3A_51 : i32
      %scan3A_53 = arith.constant 1 : i32
      scf.for %scan3A_103 = %scan3A_50 to %scan3A_52 step %scan3A_53  : i32 {
        %mul3A_104 = arith.constant 16 : i32
        %mul3A_105 = arith.muli %scan3A_103, %mul3A_104 : i32
        %get3A = arith.index_cast %mul3A_105 : i32 to index
        %get3A_106 = tpu.vector_load %arg6[%get3A] {strides = array<i32>} : memref<256xi32, #tpu.memory_space<vmem>>, vector<16xi32>,
        %get3A_107 = vector.shape_cast %get3A_106 : vector<16xi32> to vector<16xi32>
        %shift_right_arithmetic3A = arith.constant 3 : i32
        %shift_right_arithmetic3A_108 = vector.broadcast %shift_right_arithmetic3A : i32 to vector<16xi32>
        %shift_right_arithmetic3A_109 = arith.shrsi %get3A_107, %shift_right_arithmetic3A_108 : vector<16xi32>
        %swap3A = arith.index_cast %mul3A_105 : i32 to index
        %swap3A_110 = tpu.vector_load %arg8[%swap3A] {strides = array<i32>} : memref<256xi32, #tpu.memory_space<vmem>>, vector<16xi32>,
        %swap3A_111 = vector.shape_cast %swap3A_110 : vector<16xi32> to vector<16xi32>
        %swap3A_112 = vector.shape_cast %shift_right_arithmetic3A_109 : vector<16xi32> to vector<16xi32>
        tpu.vector_store %arg8[%swap3A], %swap3A_112 {strides = array<i32>} : memref<256xi32, #tpu.memory_space<vmem>>, vector<16xi32>,
      }
      %scan3A_54 = arith.constant 16 : i32
      %dma_start3A_55 = arith.constant 0 : i32
      %dma_start3A_56 = arith.constant 0 : i32
      %dma_start3A_57 = tpu.memref_slice %arg10[%dma_start3A_55, %dma_start3A_56] : memref<256x128xf32, #tpu.memory_space<vmem>> -> memref<128x128xf32, #tpu.memory_space<vmem>>
      %dma_start3A_58 = arith.constant 0 : i32
      %dma_start3A_59 = tpu.memref_slice %arg8[%dma_start3A_58] : memref<256xi32, #tpu.memory_space<vmem>> -> memref<128xi32, #tpu.memory_space<vmem>>
      %dma_start3A_60 = arith.constant 0 : i32
      %dma_start3A_61 = arith.constant 0 : i32
      %dma_start3A_62 = tpu.memref_slice %arg3[%dma_start3A_60, %dma_start3A_61] : memref<125000x128xf32, #tpu.memory_space<hbm>> -> memref<125000x128xf32, #tpu.memory_space<hbm>>
      tpu.enqueue_indirect_dma source(%dma_start3A_62 : memref<125000x128xf32, #tpu.memory_space<hbm>>) target(%dma_start3A_57 : memref<128x128xf32, #tpu.memory_space<vmem>>) offsets(%dma_start3A_59 : memref<128xi32, #tpu.memory_space<vmem>>) semaphore(%arg13 : memref<!tpu.dma_semaphore, #tpu.memory_space<semaphore_mem>>)
      %dma_start3A_63 = arith.constant 128 : i32
      %dma_start3A_64 = arith.constant 0 : i32
      %dma_start3A_65 = tpu.memref_slice %arg10[%dma_start3A_63, %dma_start3A_64] : memref<256x128xf32, #tpu.memory_space<vmem>> -> memref<128x128xf32, #tpu.memory_space<vmem>>
      %dma_start3A_66 = arith.constant 128 : i32
      %dma_start3A_67 = tpu.memref_slice %arg8[%dma_start3A_66] : memref<256xi32, #tpu.memory_space<vmem>> -> memref<128xi32, #tpu.memory_space<vmem>>
      %dma_start3A_68 = arith.constant 0 : i32
      %dma_start3A_69 = arith.constant 0 : i32
      %dma_start3A_70 = tpu.memref_slice %arg3[%dma_start3A_68, %dma_start3A_69] : memref<125000x128xf32, #tpu.memory_space<hbm>> -> memref<125000x128xf32, #tpu.memory_space<hbm>>
      tpu.enqueue_indirect_dma source(%dma_start3A_70 : memref<125000x128xf32, #tpu.memory_space<hbm>>) target(%dma_start3A_65 : memref<128x128xf32, #tpu.memory_space<vmem>>) offsets(%dma_start3A_67 : memref<128xi32, #tpu.memory_space<vmem>>) semaphore(%arg13 : memref<!tpu.dma_semaphore, #tpu.memory_space<semaphore_mem>>)
      %scan3A_71 = arith.constant 0 : i32
      %scan3A_72 = arith.constant 0 : i32
      %scan3A_73 = arith.constant 16 : i32
      %scan3A_74 = arith.addi %scan3A_72, %scan3A_73 : i32
      %scan3A_75 = arith.constant 1 : i32
      scf.for %scan3A_103 = %scan3A_72 to %scan3A_74 step %scan3A_75  : i32 {
        %mul3A_104 = arith.constant 16 : i32
        %mul3A_105 = arith.muli %scan3A_103, %mul3A_104 : i32
        %get3A = arith.index_cast %mul3A_105 : i32 to index
        %get3A_106 = tpu.vector_load %arg5[%get3A] {strides = array<i32>} : memref<256xi32, #tpu.memory_space<vmem>>, vector<16xi32>,
        %get3A_107 = vector.shape_cast %get3A_106 : vector<16xi32> to vector<16xi32>
        %slice3A = vector.extract_strided_slice %get3A_107 {offsets = [0], sizes = [1], strides = [1]} : vector<16xi32> to vector<1xi32>
        %squeeze3A = vector.extract %slice3A[0] : i32 from vector<1xi32>
        %and3A = arith.constant 7 : i32
        %and3A_108 = arith.andi %squeeze3A, %and3A : i32
        %mul3A_109 = arith.constant 16 : i32
        %mul3A_110 = arith.muli %and3A_108, %mul3A_109 : i32
        %add3A_111 = arith.constant 0 : i32
        %add3A_112 = arith.addi %mul3A_105, %add3A_111 : i32
        %get3A_113 = arith.index_cast %add3A_112 : i32 to index
        %get3A_114 = arith.index_cast %mul3A_110 : i32 to index
        %get3A_115 = tpu.vector_load %arg9[%get3A_113, %get3A_114] {strides = array<i32>} : memref<256x128xf32, #tpu.memory_space<vmem>>, vector<1x16xf32>,
        %get3A_116 = vector.shape_cast %get3A_115 : vector<1x16xf32> to vector<16xf32>
        %slice3A_117 = vector.extract_strided_slice %get3A_107 {offsets = [1], sizes = [1], strides = [1]} : vector<16xi32> to vector<1xi32>
        %squeeze3A_118 = vector.extract %slice3A_117[0] : i32 from vector<1xi32>
        %and3A_119 = arith.constant 7 : i32
        %and3A_120 = arith.andi %squeeze3A_118, %and3A_119 : i32
        %mul3A_121 = arith.constant 16 : i32
        %mul3A_122 = arith.muli %and3A_120, %mul3A_121 : i32
        %add3A_123 = arith.constant 1 : i32
        %add3A_124 = arith.addi %mul3A_105, %add3A_123 : i32
        %get3A_125 = arith.index_cast %add3A_124 : i32 to index
        %get3A_126 = arith.index_cast %mul3A_122 : i32 to index
        %get3A_127 = tpu.vector_load %arg9[%get3A_125, %get3A_126] {strides = array<i32>} : memref<256x128xf32, #tpu.memory_space<vmem>>, vector<1x16xf32>,
        %get3A_128 = vector.shape_cast %get3A_127 : vector<1x16xf32> to vector<16xf32>
        %slice3A_129 = vector.extract_strided_slice %get3A_107 {offsets = [2], sizes = [1], strides = [1]} : vector<16xi32> to vector<1xi32>
        %squeeze3A_130 = vector.extract %slice3A_129[0] : i32 from vector<1xi32>
        %and3A_131 = arith.constant 7 : i32
        %and3A_132 = arith.andi %squeeze3A_130, %and3A_131 : i32
        %mul3A_133 = arith.constant 16 : i32
        %mul3A_134 = arith.muli %and3A_132, %mul3A_133 : i32
        %add3A_135 = arith.constant 2 : i32
        %add3A_136 = arith.addi %mul3A_105, %add3A_135 : i32
        %get3A_137 = arith.index_cast %add3A_136 : i32 to index
        %get3A_138 = arith.index_cast %mul3A_134 : i32 to index
        %get3A_139 = tpu.vector_load %arg9[%get3A_137, %get3A_138] {strides = array<i32>} : memref<256x128xf32, #tpu.memory_space<vmem>>, vector<1x16xf32>,
        %get3A_140 = vector.shape_cast %get3A_139 : vector<1x16xf32> to vector<16xf32>
        %slice3A_141 = vector.extract_strided_slice %get3A_107 {offsets = [3], sizes = [1], strides = [1]} : vector<16xi32> to vector<1xi32>
        %squeeze3A_142 = vector.extract %slice3A_141[0] : i32 from vector<1xi32>
        %and3A_143 = arith.constant 7 : i32
        %and3A_144 = arith.andi %squeeze3A_142, %and3A_143 : i32
        %mul3A_145 = arith.constant 16 : i32
        %mul3A_146 = arith.muli %and3A_144, %mul3A_145 : i32
        %add3A_147 = arith.constant 3 : i32
        %add3A_148 = arith.addi %mul3A_105, %add3A_147 : i32
        %get3A_149 = arith.index_cast %add3A_148 : i32 to index
        %get3A_150 = arith.index_cast %mul3A_146 : i32 to index
        %get3A_151 = tpu.vector_load %arg9[%get3A_149, %get3A_150] {strides = array<i32>} : memref<256x128xf32, #tpu.memory_space<vmem>>, vector<1x16xf32>,
        %get3A_152 = vector.shape_cast %get3A_151 : vector<1x16xf32> to vector<16xf32>
        %slice3A_153 = vector.extract_strided_slice %get3A_107 {offsets = [4], sizes = [1], strides = [1]} : vector<16xi32> to vector<1xi32>
        %squeeze3A_154 = vector.extract %slice3A_153[0] : i32 from vector<1xi32>
        %and3A_155 = arith.constant 7 : i32
        %and3A_156 = arith.andi %squeeze3A_154, %and3A_155 : i32
        %mul3A_157 = arith.constant 16 : i32
        %mul3A_158 = arith.muli %and3A_156, %mul3A_157 : i32
        %add3A_159 = arith.constant 4 : i32
        %add3A_160 = arith.addi %mul3A_105, %add3A_159 : i32
        %get3A_161 = arith.index_cast %add3A_160 : i32 to index
        %get3A_162 = arith.index_cast %mul3A_158 : i32 to index
        %get3A_163 = tpu.vector_load %arg9[%get3A_161, %get3A_162] {strides = array<i32>} : memref<256x128xf32, #tpu.memory_space<vmem>>, vector<1x16xf32>,
        %get3A_164 = vector.shape_cast %get3A_163 : vector<1x16xf32> to vector<16xf32>
        %slice3A_165 = vector.extract_strided_slice %get3A_107 {offsets = [5], sizes = [1], strides = [1]} : vector<16xi32> to vector<1xi32>
        %squeeze3A_166 = vector.extract %slice3A_165[0] : i32 from vector<1xi32>
        %and3A_167 = arith.constant 7 : i32
        %and3A_168 = arith.andi %squeeze3A_166, %and3A_167 : i32
        %mul3A_169 = arith.constant 16 : i32
        %mul3A_170 = arith.muli %and3A_168, %mul3A_169 : i32
        %add3A_171 = arith.constant 5 : i32
        %add3A_172 = arith.addi %mul3A_105, %add3A_171 : i32
        %get3A_173 = arith.index_cast %add3A_172 : i32 to index
        %get3A_174 = arith.index_cast %mul3A_170 : i32 to index
        %get3A_175 = tpu.vector_load %arg9[%get3A_173, %get3A_174] {strides = array<i32>} : memref<256x128xf32, #tpu.memory_space<vmem>>, vector<1x16xf32>,
        %get3A_176 = vector.shape_cast %get3A_175 : vector<1x16xf32> to vector<16xf32>
        %slice3A_177 = vector.extract_strided_slice %get3A_107 {offsets = [6], sizes = [1], strides = [1]} : vector<16xi32> to vector<1xi32>
        %squeeze3A_178 = vector.extract %slice3A_177[0] : i32 from vector<1xi32>
        %and3A_179 = arith.constant 7 : i32
        %and3A_180 = arith.andi %squeeze3A_178, %and3A_179 : i32
        %mul3A_181 = arith.constant 16 : i32
        %mul3A_182 = arith.muli %and3A_180, %mul3A_181 : i32
        %add3A_183 = arith.constant 6 : i32
        %add3A_184 = arith.addi %mul3A_105, %add3A_183 : i32
        %get3A_185 = arith.index_cast %add3A_184 : i32 to index
        %get3A_186 = arith.index_cast %mul3A_182 : i32 to index
        %get3A_187 = tpu.vector_load %arg9[%get3A_185, %get3A_186] {strides = array<i32>} : memref<256x128xf32, #tpu.memory_space<vmem>>, vector<1x16xf32>,
        %get3A_188 = vector.shape_cast %get3A_187 : vector<1x16xf32> to vector<16xf32>
        %slice3A_189 = vector.extract_strided_slice %get3A_107 {offsets = [7], sizes = [1], strides = [1]} : vector<16xi32> to vector<1xi32>
        %squeeze3A_190 = vector.extract %slice3A_189[0] : i32 from vector<1xi32>
        %and3A_191 = arith.constant 7 : i32
        %and3A_192 = arith.andi %squeeze3A_190, %and3A_191 : i32
        %mul3A_193 = arith.constant 16 : i32
        %mul3A_194 = arith.muli %and3A_192, %mul3A_193 : i32
        %add3A_195 = arith.constant 7 : i32
        %add3A_196 = arith.addi %mul3A_105, %add3A_195 : i32
        %get3A_197 = arith.index_cast %add3A_196 : i32 to index
        %get3A_198 = arith.index_cast %mul3A_194 : i32 to index
        %get3A_199 = tpu.vector_load %arg9[%get3A_197, %get3A_198] {strides = array<i32>} : memref<256x128xf32, #tpu.memory_space<vmem>>, vector<1x16xf32>,
        %get3A_200 = vector.shape_cast %get3A_199 : vector<1x16xf32> to vector<16xf32>
        %slice3A_201 = vector.extract_strided_slice %get3A_107 {offsets = [8], sizes = [1], strides = [1]} : vector<16xi32> to vector<1xi32>
        %squeeze3A_202 = vector.extract %slice3A_201[0] : i32 from vector<1xi32>
        %and3A_203 = arith.constant 7 : i32
        %and3A_204 = arith.andi %squeeze3A_202, %and3A_203 : i32
        %mul3A_205 = arith.constant 16 : i32
        %mul3A_206 = arith.muli %and3A_204, %mul3A_205 : i32
        %add3A_207 = arith.constant 8 : i32
        %add3A_208 = arith.addi %mul3A_105, %add3A_207 : i32
        %get3A_209 = arith.index_cast %add3A_208 : i32 to index
        %get3A_210 = arith.index_cast %mul3A_206 : i32 to index
        %get3A_211 = tpu.vector_load %arg9[%get3A_209, %get3A_210] {strides = array<i32>} : memref<256x128xf32, #tpu.memory_space<vmem>>, vector<1x16xf32>,
        %get3A_212 = vector.shape_cast %get3A_211 : vector<1x16xf32> to vector<16xf32>
        %slice3A_213 = vector.extract_strided_slice %get3A_107 {offsets = [9], sizes = [1], strides = [1]} : vector<16xi32> to vector<1xi32>
        %squeeze3A_214 = vector.extract %slice3A_213[0] : i32 from vector<1xi32>
        %and3A_215 = arith.constant 7 : i32
        %and3A_216 = arith.andi %squeeze3A_214, %and3A_215 : i32
        %mul3A_217 = arith.constant 16 : i32
        %mul3A_218 = arith.muli %and3A_216, %mul3A_217 : i32
        %add3A_219 = arith.constant 9 : i32
        %add3A_220 = arith.addi %mul3A_105, %add3A_219 : i32
        %get3A_221 = arith.index_cast %add3A_220 : i32 to index
        %get3A_222 = arith.index_cast %mul3A_218 : i32 to index
        %get3A_223 = tpu.vector_load %arg9[%get3A_221, %get3A_222] {strides = array<i32>} : memref<256x128xf32, #tpu.memory_space<vmem>>, vector<1x16xf32>,
        %get3A_224 = vector.shape_cast %get3A_223 : vector<1x16xf32> to vector<16xf32>
        %slice3A_225 = vector.extract_strided_slice %get3A_107 {offsets = [10], sizes = [1], strides = [1]} : vector<16xi32> to vector<1xi32>
        %squeeze3A_226 = vector.extract %slice3A_225[0] : i32 from vector<1xi32>
        %and3A_227 = arith.constant 7 : i32
        %and3A_228 = arith.andi %squeeze3A_226, %and3A_227 : i32
        %mul3A_229 = arith.constant 16 : i32
        %mul3A_230 = arith.muli %and3A_228, %mul3A_229 : i32
        %add3A_231 = arith.constant 10 : i32
        %add3A_232 = arith.addi %mul3A_105, %add3A_231 : i32
        %get3A_233 = arith.index_cast %add3A_232 : i32 to index
        %get3A_234 = arith.index_cast %mul3A_230 : i32 to index
        %get3A_235 = tpu.vector_load %arg9[%get3A_233, %get3A_234] {strides = array<i32>} : memref<256x128xf32, #tpu.memory_space<vmem>>, vector<1x16xf32>,
        %get3A_236 = vector.shape_cast %get3A_235 : vector<1x16xf32> to vector<16xf32>
        %slice3A_237 = vector.extract_strided_slice %get3A_107 {offsets = [11], sizes = [1], strides = [1]} : vector<16xi32> to vector<1xi32>
        %squeeze3A_238 = vector.extract %slice3A_237[0] : i32 from vector<1xi32>
        %and3A_239 = arith.constant 7 : i32
        %and3A_240 = arith.andi %squeeze3A_238, %and3A_239 : i32
        %mul3A_241 = arith.constant 16 : i32
        %mul3A_242 = arith.muli %and3A_240, %mul3A_241 : i32
        %add3A_243 = arith.constant 11 : i32
        %add3A_244 = arith.addi %mul3A_105, %add3A_243 : i32
        %get3A_245 = arith.index_cast %add3A_244 : i32 to index
        %get3A_246 = arith.index_cast %mul3A_242 : i32 to index
        %get3A_247 = tpu.vector_load %arg9[%get3A_245, %get3A_246] {strides = array<i32>} : memref<256x128xf32, #tpu.memory_space<vmem>>, vector<1x16xf32>,
        %get3A_248 = vector.shape_cast %get3A_247 : vector<1x16xf32> to vector<16xf32>
        %slice3A_249 = vector.extract_strided_slice %get3A_107 {offsets = [12], sizes = [1], strides = [1]} : vector<16xi32> to vector<1xi32>
        %squeeze3A_250 = vector.extract %slice3A_249[0] : i32 from vector<1xi32>
        %and3A_251 = arith.constant 7 : i32
        %and3A_252 = arith.andi %squeeze3A_250, %and3A_251 : i32
        %mul3A_253 = arith.constant 16 : i32
        %mul3A_254 = arith.muli %and3A_252, %mul3A_253 : i32
        %add3A_255 = arith.constant 12 : i32
        %add3A_256 = arith.addi %mul3A_105, %add3A_255 : i32
        %get3A_257 = arith.index_cast %add3A_256 : i32 to index
        %get3A_258 = arith.index_cast %mul3A_254 : i32 to index
        %get3A_259 = tpu.vector_load %arg9[%get3A_257, %get3A_258] {strides = array<i32>} : memref<256x128xf32, #tpu.memory_space<vmem>>, vector<1x16xf32>,
        %get3A_260 = vector.shape_cast %get3A_259 : vector<1x16xf32> to vector<16xf32>
        %slice3A_261 = vector.extract_strided_slice %get3A_107 {offsets = [13], sizes = [1], strides = [1]} : vector<16xi32> to vector<1xi32>
        %squeeze3A_262 = vector.extract %slice3A_261[0] : i32 from vector<1xi32>
        %and3A_263 = arith.constant 7 : i32
        %and3A_264 = arith.andi %squeeze3A_262, %and3A_263 : i32
        %mul3A_265 = arith.constant 16 : i32
        %mul3A_266 = arith.muli %and3A_264, %mul3A_265 : i32
        %add3A_267 = arith.constant 13 : i32
        %add3A_268 = arith.addi %mul3A_105, %add3A_267 : i32
        %get3A_269 = arith.index_cast %add3A_268 : i32 to index
        %get3A_270 = arith.index_cast %mul3A_266 : i32 to index
        %get3A_271 = tpu.vector_load %arg9[%get3A_269, %get3A_270] {strides = array<i32>} : memref<256x128xf32, #tpu.memory_space<vmem>>, vector<1x16xf32>,
        %get3A_272 = vector.shape_cast %get3A_271 : vector<1x16xf32> to vector<16xf32>
        %slice3A_273 = vector.extract_strided_slice %get3A_107 {offsets = [14], sizes = [1], strides = [1]} : vector<16xi32> to vector<1xi32>
        %squeeze3A_274 = vector.extract %slice3A_273[0] : i32 from vector<1xi32>
        %and3A_275 = arith.constant 7 : i32
        %and3A_276 = arith.andi %squeeze3A_274, %and3A_275 : i32
        %mul3A_277 = arith.constant 16 : i32
        %mul3A_278 = arith.muli %and3A_276, %mul3A_277 : i32
        %add3A_279 = arith.constant 14 : i32
        %add3A_280 = arith.addi %mul3A_105, %add3A_279 : i32
        %get3A_281 = arith.index_cast %add3A_280 : i32 to index
        %get3A_282 = arith.index_cast %mul3A_278 : i32 to index
        %get3A_283 = tpu.vector_load %arg9[%get3A_281, %get3A_282] {strides = array<i32>} : memref<256x128xf32, #tpu.memory_space<vmem>>, vector<1x16xf32>,
        %get3A_284 = vector.shape_cast %get3A_283 : vector<1x16xf32> to vector<16xf32>
        %slice3A_285 = vector.extract_strided_slice %get3A_107 {offsets = [15], sizes = [1], strides = [1]} : vector<16xi32> to vector<1xi32>
        %squeeze3A_286 = vector.extract %slice3A_285[0] : i32 from vector<1xi32>
        %and3A_287 = arith.constant 7 : i32
        %and3A_288 = arith.andi %squeeze3A_286, %and3A_287 : i32
        %mul3A_289 = arith.constant 16 : i32
        %mul3A_290 = arith.muli %and3A_288, %mul3A_289 : i32
        %add3A_291 = arith.constant 15 : i32
        %add3A_292 = arith.addi %mul3A_105, %add3A_291 : i32
        %get3A_293 = arith.index_cast %add3A_292 : i32 to index
        %get3A_294 = arith.index_cast %mul3A_290 : i32 to index
        %get3A_295 = tpu.vector_load %arg9[%get3A_293, %get3A_294] {strides = array<i32>} : memref<256x128xf32, #tpu.memory_space<vmem>>, vector<1x16xf32>,
        %get3A_296 = vector.shape_cast %get3A_295 : vector<1x16xf32> to vector<16xf32>
        %xor3A = arith.constant 1 : i32
        %xor3A_297 = vector.broadcast %xor3A : i32 to vector<16xi32>
        %xor3A_298 = arith.xori %iota3A, %xor3A_297 : vector<16xi32>
        %and3A_299 = arith.constant 1 : i32
        %and3A_300 = vector.broadcast %and3A_299 : i32 to vector<16xi32>
        %and3A_301 = arith.andi %iota3A, %and3A_300 : vector<16xi32>
        %eq3A = arith.constant 0 : i32
        %eq3A_302 = vector.broadcast %eq3A : i32 to vector<16xi32>
        %eq3A_303 = arith.cmpi eq, %and3A_301, %eq3A_302 : vector<16xi32>
        %broadcast_in_dim3A = vector.shape_cast %xor3A_298 : vector<16xi32> to vector<16x1xi32>
        %gather3A = vector.shape_cast %broadcast_in_dim3A : vector<16x1xi32> to vector<16xi32>
        %gather3A_304 = tpu.dynamic_gather %get3A_128[%gather3A] in [0] : vector<16xf32>, vector<16xi32> -> vector<16xf32>
        %select_n3A = arith.select %eq3A_303, %get3A_116, %gather3A_304 : vector<16xi1>, vector<16xf32>
        %broadcast_in_dim3A_305 = vector.shape_cast %xor3A_298 : vector<16xi32> to vector<16x1xi32>
        %gather3A_306 = vector.shape_cast %broadcast_in_dim3A_305 : vector<16x1xi32> to vector<16xi32>
        %gather3A_307 = tpu.dynamic_gather %get3A_116[%gather3A_306] in [0] : vector<16xf32>, vector<16xi32> -> vector<16xf32>
        %select_n3A_308 = arith.select %eq3A_303, %gather3A_307, %get3A_128 : vector<16xi1>, vector<16xf32>
        %broadcast_in_dim3A_309 = vector.shape_cast %xor3A_298 : vector<16xi32> to vector<16x1xi32>
        %gather3A_310 = vector.shape_cast %broadcast_in_dim3A_309 : vector<16x1xi32> to vector<16xi32>
        %gather3A_311 = tpu.dynamic_gather %get3A_152[%gather3A_310] in [0] : vector<16xf32>, vector<16xi32> -> vector<16xf32>
        %select_n3A_312 = arith.select %eq3A_303, %get3A_140, %gather3A_311 : vector<16xi1>, vector<16xf32>
        %broadcast_in_dim3A_313 = vector.shape_cast %xor3A_298 : vector<16xi32> to vector<16x1xi32>
        %gather3A_314 = vector.shape_cast %broadcast_in_dim3A_313 : vector<16x1xi32> to vector<16xi32>
        %gather3A_315 = tpu.dynamic_gather %get3A_140[%gather3A_314] in [0] : vector<16xf32>, vector<16xi32> -> vector<16xf32>
        %select_n3A_316 = arith.select %eq3A_303, %gather3A_315, %get3A_152 : vector<16xi1>, vector<16xf32>
        %broadcast_in_dim3A_317 = vector.shape_cast %xor3A_298 : vector<16xi32> to vector<16x1xi32>
        %gather3A_318 = vector.shape_cast %broadcast_in_dim3A_317 : vector<16x1xi32> to vector<16xi32>
        %gather3A_319 = tpu.dynamic_gather %get3A_176[%gather3A_318] in [0] : vector<16xf32>, vector<16xi32> -> vector<16xf32>
        %select_n3A_320 = arith.select %eq3A_303, %get3A_164, %gather3A_319 : vector<16xi1>, vector<16xf32>
        %broadcast_in_dim3A_321 = vector.shape_cast %xor3A_298 : vector<16xi32> to vector<16x1xi32>
        %gather3A_322 = vector.shape_cast %broadcast_in_dim3A_321 : vector<16x1xi32> to vector<16xi32>
        %gather3A_323 = tpu.dynamic_gather %get3A_164[%gather3A_322] in [0] : vector<16xf32>, vector<16xi32> -> vector<16xf32>
        %select_n3A_324 = arith.select %eq3A_303, %gather3A_323, %get3A_176 : vector<16xi1>, vector<16xf32>
        %broadcast_in_dim3A_325 = vector.shape_cast %xor3A_298 : vector<16xi32> to vector<16x1xi32>
        %gather3A_326 = vector.shape_cast %broadcast_in_dim3A_325 : vector<16x1xi32> to vector<16xi32>
        %gather3A_327 = tpu.dynamic_gather %get3A_200[%gather3A_326] in [0] : vector<16xf32>, vector<16xi32> -> vector<16xf32>
        %select_n3A_328 = arith.select %eq3A_303, %get3A_188, %gather3A_327 : vector<16xi1>, vector<16xf32>
        %broadcast_in_dim3A_329 = vector.shape_cast %xor3A_298 : vector<16xi32> to vector<16x1xi32>
        %gather3A_330 = vector.shape_cast %broadcast_in_dim3A_329 : vector<16x1xi32> to vector<16xi32>
        %gather3A_331 = tpu.dynamic_gather %get3A_188[%gather3A_330] in [0] : vector<16xf32>, vector<16xi32> -> vector<16xf32>
        %select_n3A_332 = arith.select %eq3A_303, %gather3A_331, %get3A_200 : vector<16xi1>, vector<16xf32>
        %broadcast_in_dim3A_333 = vector.shape_cast %xor3A_298 : vector<16xi32> to vector<16x1xi32>
        %gather3A_334 = vector.shape_cast %broadcast_in_dim3A_333 : vector<16x1xi32> to vector<16xi32>
        %gather3A_335 = tpu.dynamic_gather %get3A_224[%gather3A_334] in [0] : vector<16xf32>, vector<16xi32> -> vector<16xf32>
        %select_n3A_336 = arith.select %eq3A_303, %get3A_212, %gather3A_335 : vector<16xi1>, vector<16xf32>
        %broadcast_in_dim3A_337 = vector.shape_cast %xor3A_298 : vector<16xi32> to vector<16x1xi32>
        %gather3A_338 = vector.shape_cast %broadcast_in_dim3A_337 : vector<16x1xi32> to vector<16xi32>
        %gather3A_339 = tpu.dynamic_gather %get3A_212[%gather3A_338] in [0] : vector<16xf32>, vector<16xi32> -> vector<16xf32>
        %select_n3A_340 = arith.select %eq3A_303, %gather3A_339, %get3A_224 : vector<16xi1>, vector<16xf32>
        %broadcast_in_dim3A_341 = vector.shape_cast %xor3A_298 : vector<16xi32> to vector<16x1xi32>
        %gather3A_342 = vector.shape_cast %broadcast_in_dim3A_341 : vector<16x1xi32> to vector<16xi32>
        %gather3A_343 = tpu.dynamic_gather %get3A_248[%gather3A_342] in [0] : vector<16xf32>, vector<16xi32> -> vector<16xf32>
        %select_n3A_344 = arith.select %eq3A_303, %get3A_236, %gather3A_343 : vector<16xi1>, vector<16xf32>
        %broadcast_in_dim3A_345 = vector.shape_cast %xor3A_298 : vector<16xi32> to vector<16x1xi32>
        %gather3A_346 = vector.shape_cast %broadcast_in_dim3A_345 : vector<16x1xi32> to vector<16xi32>
        %gather3A_347 = tpu.dynamic_gather %get3A_236[%gather3A_346] in [0] : vector<16xf32>, vector<16xi32> -> vector<16xf32>
        %select_n3A_348 = arith.select %eq3A_303, %gather3A_347, %get3A_248 : vector<16xi1>, vector<16xf32>
        %broadcast_in_dim3A_349 = vector.shape_cast %xor3A_298 : vector<16xi32> to vector<16x1xi32>
        %gather3A_350 = vector.shape_cast %broadcast_in_dim3A_349 : vector<16x1xi32> to vector<16xi32>
        %gather3A_351 = tpu.dynamic_gather %get3A_272[%gather3A_350] in [0] : vector<16xf32>, vector<16xi32> -> vector<16xf32>
        %select_n3A_352 = arith.select %eq3A_303, %get3A_260, %gather3A_351 : vector<16xi1>, vector<16xf32>
        %broadcast_in_dim3A_353 = vector.shape_cast %xor3A_298 : vector<16xi32> to vector<16x1xi32>
        %gather3A_354 = vector.shape_cast %broadcast_in_dim3A_353 : vector<16x1xi32> to vector<16xi32>
        %gather3A_355 = tpu.dynamic_gather %get3A_260[%gather3A_354] in [0] : vector<16xf32>, vector<16xi32> -> vector<16xf32>
        %select_n3A_356 = arith.select %eq3A_303, %gather3A_355, %get3A_272 : vector<16xi1>, vector<16xf32>
        %broadcast_in_dim3A_357 = vector.shape_cast %xor3A_298 : vector<16xi32> to vector<16x1xi32>
        %gather3A_358 = vector.shape_cast %broadcast_in_dim3A_357 : vector<16x1xi32> to vector<16xi32>
        %gather3A_359 = tpu.dynamic_gather %get3A_296[%gather3A_358] in [0] : vector<16xf32>, vector<16xi32> -> vector<16xf32>
        %select_n3A_360 = arith.select %eq3A_303, %get3A_284, %gather3A_359 : vector<16xi1>, vector<16xf32>
        %broadcast_in_dim3A_361 = vector.shape_cast %xor3A_298 : vector<16xi32> to vector<16x1xi32>
        %gather3A_362 = vector.shape_cast %broadcast_in_dim3A_361 : vector<16x1xi32> to vector<16xi32>
        %gather3A_363 = tpu.dynamic_gather %get3A_284[%gather3A_362] in [0] : vector<16xf32>, vector<16xi32> -> vector<16xf32>
        %select_n3A_364 = arith.select %eq3A_303, %gather3A_363, %get3A_296 : vector<16xi1>, vector<16xf32>
        %xor3A_365 = arith.constant 2 : i32
        %xor3A_366 = vector.broadcast %xor3A_365 : i32 to vector<16xi32>
        %xor3A_367 = arith.xori %iota3A, %xor3A_366 : vector<16xi32>
        %and3A_368 = arith.constant 2 : i32
        %and3A_369 = vector.broadcast %and3A_368 : i32 to vector<16xi32>
        %and3A_370 = arith.andi %iota3A, %and3A_369 : vector<16xi32>
        %eq3A_371 = arith.constant 0 : i32
        %eq3A_372 = vector.broadcast %eq3A_371 : i32 to vector<16xi32>
        %eq3A_373 = arith.cmpi eq, %and3A_370, %eq3A_372 : vector<16xi32>
        %broadcast_in_dim3A_374 = vector.shape_cast %xor3A_367 : vector<16xi32> to vector<16x1xi32>
        %gather3A_375 = vector.shape_cast %broadcast_in_dim3A_374 : vector<16x1xi32> to vector<16xi32>
        %gather3A_376 = tpu.dynamic_gather %select_n3A_312[%gather3A_375] in [0] : vector<16xf32>, vector<16xi32> -> vector<16xf32>
        %select_n3A_377 = arith.select %eq3A_373, %select_n3A, %gather3A_376 : vector<16xi1>, vector<16xf32>
        %broadcast_in_dim3A_378 = vector.shape_cast %xor3A_367 : vector<16xi32> to vector<16x1xi32>
        %gather3A_379 = vector.shape_cast %broadcast_in_dim3A_378 : vector<16x1xi32> to vector<16xi32>
        %gather3A_380 = tpu.dynamic_gather %select_n3A[%gather3A_379] in [0] : vector<16xf32>, vector<16xi32> -> vector<16xf32>
        %select_n3A_381 = arith.select %eq3A_373, %gather3A_380, %select_n3A_312 : vector<16xi1>, vector<16xf32>
        %broadcast_in_dim3A_382 = vector.shape_cast %xor3A_367 : vector<16xi32> to vector<16x1xi32>
        %gather3A_383 = vector.shape_cast %broadcast_in_dim3A_382 : vector<16x1xi32> to vector<16xi32>
        %gather3A_384 = tpu.dynamic_gather %select_n3A_316[%gather3A_383] in [0] : vector<16xf32>, vector<16xi32> -> vector<16xf32>
        %select_n3A_385 = arith.select %eq3A_373, %select_n3A_308, %gather3A_384 : vector<16xi1>, vector<16xf32>
        %broadcast_in_dim3A_386 = vector.shape_cast %xor3A_367 : vector<16xi32> to vector<16x1xi32>
        %gather3A_387 = vector.shape_cast %broadcast_in_dim3A_386 : vector<16x1xi32> to vector<16xi32>
        %gather3A_388 = tpu.dynamic_gather %select_n3A_308[%gather3A_387] in [0] : vector<16xf32>, vector<16xi32> -> vector<16xf32>
        %select_n3A_389 = arith.select %eq3A_373, %gather3A_388, %select_n3A_316 : vector<16xi1>, vector<16xf32>
        %broadcast_in_dim3A_390 = vector.shape_cast %xor3A_367 : vector<16xi32> to vector<16x1xi32>
        %gather3A_391 = vector.shape_cast %broadcast_in_dim3A_390 : vector<16x1xi32> to vector<16xi32>
        %gather3A_392 = tpu.dynamic_gather %select_n3A_328[%gather3A_391] in [0] : vector<16xf32>, vector<16xi32> -> vector<16xf32>
        %select_n3A_393 = arith.select %eq3A_373, %select_n3A_320, %gather3A_392 : vector<16xi1>, vector<16xf32>
        %broadcast_in_dim3A_394 = vector.shape_cast %xor3A_367 : vector<16xi32> to vector<16x1xi32>
        %gather3A_395 = vector.shape_cast %broadcast_in_dim3A_394 : vector<16x1xi32> to vector<16xi32>
        %gather3A_396 = tpu.dynamic_gather %select_n3A_320[%gather3A_395] in [0] : vector<16xf32>, vector<16xi32> -> vector<16xf32>
        %select_n3A_397 = arith.select %eq3A_373, %gather3A_396, %select_n3A_328 : vector<16xi1>, vector<16xf32>
        %broadcast_in_dim3A_398 = vector.shape_cast %xor3A_367 : vector<16xi32> to vector<16x1xi32>
        %gather3A_399 = vector.shape_cast %broadcast_in_dim3A_398 : vector<16x1xi32> to vector<16xi32>
        %gather3A_400 = tpu.dynamic_gather %select_n3A_332[%gather3A_399] in [0] : vector<16xf32>, vector<16xi32> -> vector<16xf32>
        %select_n3A_401 = arith.select %eq3A_373, %select_n3A_324, %gather3A_400 : vector<16xi1>, vector<16xf32>
        %broadcast_in_dim3A_402 = vector.shape_cast %xor3A_367 : vector<16xi32> to vector<16x1xi32>
        %gather3A_403 = vector.shape_cast %broadcast_in_dim3A_402 : vector<16x1xi32> to vector<16xi32>
        %gather3A_404 = tpu.dynamic_gather %select_n3A_324[%gather3A_403] in [0] : vector<16xf32>, vector<16xi32> -> vector<16xf32>
        %select_n3A_405 = arith.select %eq3A_373, %gather3A_404, %select_n3A_332 : vector<16xi1>, vector<16xf32>
        %broadcast_in_dim3A_406 = vector.shape_cast %xor3A_367 : vector<16xi32> to vector<16x1xi32>
        %gather3A_407 = vector.shape_cast %broadcast_in_dim3A_406 : vector<16x1xi32> to vector<16xi32>
        %gather3A_408 = tpu.dynamic_gather %select_n3A_344[%gather3A_407] in [0] : vector<16xf32>, vector<16xi32> -> vector<16xf32>
        %select_n3A_409 = arith.select %eq3A_373, %select_n3A_336, %gather3A_408 : vector<16xi1>, vector<16xf32>
        %broadcast_in_dim3A_410 = vector.shape_cast %xor3A_367 : vector<16xi32> to vector<16x1xi32>
        %gather3A_411 = vector.shape_cast %broadcast_in_dim3A_410 : vector<16x1xi32> to vector<16xi32>
        %gather3A_412 = tpu.dynamic_gather %select_n3A_336[%gather3A_411] in [0] : vector<16xf32>, vector<16xi32> -> vector<16xf32>
        %select_n3A_413 = arith.select %eq3A_373, %gather3A_412, %select_n3A_344 : vector<16xi1>, vector<16xf32>
        %broadcast_in_dim3A_414 = vector.shape_cast %xor3A_367 : vector<16xi32> to vector<16x1xi32>
        %gather3A_415 = vector.shape_cast %broadcast_in_dim3A_414 : vector<16x1xi32> to vector<16xi32>
        %gather3A_416 = tpu.dynamic_gather %select_n3A_348[%gather3A_415] in [0] : vector<16xf32>, vector<16xi32> -> vector<16xf32>
        %select_n3A_417 = arith.select %eq3A_373, %select_n3A_340, %gather3A_416 : vector<16xi1>, vector<16xf32>
        %broadcast_in_dim3A_418 = vector.shape_cast %xor3A_367 : vector<16xi32> to vector<16x1xi32>
        %gather3A_419 = vector.shape_cast %broadcast_in_dim3A_418 : vector<16x1xi32> to vector<16xi32>
        %gather3A_420 = tpu.dynamic_gather %select_n3A_340[%gather3A_419] in [0] : vector<16xf32>, vector<16xi32> -> vector<16xf32>
        %select_n3A_421 = arith.select %eq3A_373, %gather3A_420, %select_n3A_348 : vector<16xi1>, vector<16xf32>
        %broadcast_in_dim3A_422 = vector.shape_cast %xor3A_367 : vector<16xi32> to vector<16x1xi32>
        %gather3A_423 = vector.shape_cast %broadcast_in_dim3A_422 : vector<16x1xi32> to vector<16xi32>
        %gather3A_424 = tpu.dynamic_gather %select_n3A_360[%gather3A_423] in [0] : vector<16xf32>, vector<16xi32> -> vector<16xf32>
        %select_n3A_425 = arith.select %eq3A_373, %select_n3A_352, %gather3A_424 : vector<16xi1>, vector<16xf32>
        %broadcast_in_dim3A_426 = vector.shape_cast %xor3A_367 : vector<16xi32> to vector<16x1xi32>
        %gather3A_427 = vector.shape_cast %broadcast_in_dim3A_426 : vector<16x1xi32> to vector<16xi32>
        %gather3A_428 = tpu.dynamic_gather %select_n3A_352[%gather3A_427] in [0] : vector<16xf32>, vector<16xi32> -> vector<16xf32>
        %select_n3A_429 = arith.select %eq3A_373, %gather3A_428, %select_n3A_360 : vector<16xi1>, vector<16xf32>
        %broadcast_in_dim3A_430 = vector.shape_cast %xor3A_367 : vector<16xi32> to vector<16x1xi32>
        %gather3A_431 = vector.shape_cast %broadcast_in_dim3A_430 : vector<16x1xi32> to vector<16xi32>
        %gather3A_432 = tpu.dynamic_gather %select_n3A_364[%gather3A_431] in [0] : vector<16xf32>, vector<16xi32> -> vector<16xf32>
        %select_n3A_433 = arith.select %eq3A_373, %select_n3A_356, %gather3A_432 : vector<16xi1>, vector<16xf32>
        %broadcast_in_dim3A_434 = vector.shape_cast %xor3A_367 : vector<16xi32> to vector<16x1xi32>
        %gather3A_435 = vector.shape_cast %broadcast_in_dim3A_434 : vector<16x1xi32> to vector<16xi32>
        %gather3A_436 = tpu.dynamic_gather %select_n3A_356[%gather3A_435] in [0] : vector<16xf32>, vector<16xi32> -> vector<16xf32>
        %select_n3A_437 = arith.select %eq3A_373, %gather3A_436, %select_n3A_364 : vector<16xi1>, vector<16xf32>
        %xor3A_438 = arith.constant 4 : i32
        %xor3A_439 = vector.broadcast %xor3A_438 : i32 to vector<16xi32>
        %xor3A_440 = arith.xori %iota3A, %xor3A_439 : vector<16xi32>
        %and3A_441 = arith.constant 4 : i32
        %and3A_442 = vector.broadcast %and3A_441 : i32 to vector<16xi32>
        %and3A_443 = arith.andi %iota3A, %and3A_442 : vector<16xi32>
        %eq3A_444 = arith.constant 0 : i32
        %eq3A_445 = vector.broadcast %eq3A_444 : i32 to vector<16xi32>
        %eq3A_446 = arith.cmpi eq, %and3A_443, %eq3A_445 : vector<16xi32>
        %broadcast_in_dim3A_447 = vector.shape_cast %xor3A_440 : vector<16xi32> to vector<16x1xi32>
        %gather3A_448 = vector.shape_cast %broadcast_in_dim3A_447 : vector<16x1xi32> to vector<16xi32>
        %gather3A_449 = tpu.dynamic_gather %select_n3A_393[%gather3A_448] in [0] : vector<16xf32>, vector<16xi32> -> vector<16xf32>
        %select_n3A_450 = arith.select %eq3A_446, %select_n3A_377, %gather3A_449 : vector<16xi1>, vector<16xf32>
        %broadcast_in_dim3A_451 = vector.shape_cast %xor3A_440 : vector<16xi32> to vector<16x1xi32>
        %gather3A_452 = vector.shape_cast %broadcast_in_dim3A_451 : vector<16x1xi32> to vector<16xi32>
        %gather3A_453 = tpu.dynamic_gather %select_n3A_377[%gather3A_452] in [0] : vector<16xf32>, vector<16xi32> -> vector<16xf32>
        %select_n3A_454 = arith.select %eq3A_446, %gather3A_453, %select_n3A_393 : vector<16xi1>, vector<16xf32>
        %broadcast_in_dim3A_455 = vector.shape_cast %xor3A_440 : vector<16xi32> to vector<16x1xi32>
        %gather3A_456 = vector.shape_cast %broadcast_in_dim3A_455 : vector<16x1xi32> to vector<16xi32>
        %gather3A_457 = tpu.dynamic_gather %select_n3A_401[%gather3A_456] in [0] : vector<16xf32>, vector<16xi32> -> vector<16xf32>
        %select_n3A_458 = arith.select %eq3A_446, %select_n3A_385, %gather3A_457 : vector<16xi1>, vector<16xf32>
        %broadcast_in_dim3A_459 = vector.shape_cast %xor3A_440 : vector<16xi32> to vector<16x1xi32>
        %gather3A_460 = vector.shape_cast %broadcast_in_dim3A_459 : vector<16x1xi32> to vector<16xi32>
        %gather3A_461 = tpu.dynamic_gather %select_n3A_385[%gather3A_460] in [0] : vector<16xf32>, vector<16xi32> -> vector<16xf32>
        %select_n3A_462 = arith.select %eq3A_446, %gather3A_461, %select_n3A_401 : vector<16xi1>, vector<16xf32>
        %broadcast_in_dim3A_463 = vector.shape_cast %xor3A_440 : vector<16xi32> to vector<16x1xi32>
        %gather3A_464 = vector.shape_cast %broadcast_in_dim3A_463 : vector<16x1xi32> to vector<16xi32>
        %gather3A_465 = tpu.dynamic_gather %select_n3A_397[%gather3A_464] in [0] : vector<16xf32>, vector<16xi32> -> vector<16xf32>
        %select_n3A_466 = arith.select %eq3A_446, %select_n3A_381, %gather3A_465 : vector<16xi1>, vector<16xf32>
        %broadcast_in_dim3A_467 = vector.shape_cast %xor3A_440 : vector<16xi32> to vector<16x1xi32>
        %gather3A_468 = vector.shape_cast %broadcast_in_dim3A_467 : vector<16x1xi32> to vector<16xi32>
        %gather3A_469 = tpu.dynamic_gather %select_n3A_381[%gather3A_468] in [0] : vector<16xf32>, vector<16xi32> -> vector<16xf32>
        %select_n3A_470 = arith.select %eq3A_446, %gather3A_469, %select_n3A_397 : vector<16xi1>, vector<16xf32>
        %broadcast_in_dim3A_471 = vector.shape_cast %xor3A_440 : vector<16xi32> to vector<16x1xi32>
        %gather3A_472 = vector.shape_cast %broadcast_in_dim3A_471 : vector<16x1xi32> to vector<16xi32>
        %gather3A_473 = tpu.dynamic_gather %select_n3A_405[%gather3A_472] in [0] : vector<16xf32>, vector<16xi32> -> vector<16xf32>
        %select_n3A_474 = arith.select %eq3A_446, %select_n3A_389, %gather3A_473 : vector<16xi1>, vector<16xf32>
        %broadcast_in_dim3A_475 = vector.shape_cast %xor3A_440 : vector<16xi32> to vector<16x1xi32>
        %gather3A_476 = vector.shape_cast %broadcast_in_dim3A_475 : vector<16x1xi32> to vector<16xi32>
        %gather3A_477 = tpu.dynamic_gather %select_n3A_389[%gather3A_476] in [0] : vector<16xf32>, vector<16xi32> -> vector<16xf32>
        %select_n3A_478 = arith.select %eq3A_446, %gather3A_477, %select_n3A_405 : vector<16xi1>, vector<16xf32>
        %broadcast_in_dim3A_479 = vector.shape_cast %xor3A_440 : vector<16xi32> to vector<16x1xi32>
        %gather3A_480 = vector.shape_cast %broadcast_in_dim3A_479 : vector<16x1xi32> to vector<16xi32>
        %gather3A_481 = tpu.dynamic_gather %select_n3A_425[%gather3A_480] in [0] : vector<16xf32>, vector<16xi32> -> vector<16xf32>
        %select_n3A_482 = arith.select %eq3A_446, %select_n3A_409, %gather3A_481 : vector<16xi1>, vector<16xf32>
        %broadcast_in_dim3A_483 = vector.shape_cast %xor3A_440 : vector<16xi32> to vector<16x1xi32>
        %gather3A_484 = vector.shape_cast %broadcast_in_dim3A_483 : vector<16x1xi32> to vector<16xi32>
        %gather3A_485 = tpu.dynamic_gather %select_n3A_409[%gather3A_484] in [0] : vector<16xf32>, vector<16xi32> -> vector<16xf32>
        %select_n3A_486 = arith.select %eq3A_446, %gather3A_485, %select_n3A_425 : vector<16xi1>, vector<16xf32>
        %broadcast_in_dim3A_487 = vector.shape_cast %xor3A_440 : vector<16xi32> to vector<16x1xi32>
        %gather3A_488 = vector.shape_cast %broadcast_in_dim3A_487 : vector<16x1xi32> to vector<16xi32>
        %gather3A_489 = tpu.dynamic_gather %select_n3A_433[%gather3A_488] in [0] : vector<16xf32>, vector<16xi32> -> vector<16xf32>
        %select_n3A_490 = arith.select %eq3A_446, %select_n3A_417, %gather3A_489 : vector<16xi1>, vector<16xf32>
        %broadcast_in_dim3A_491 = vector.shape_cast %xor3A_440 : vector<16xi32> to vector<16x1xi32>
        %gather3A_492 = vector.shape_cast %broadcast_in_dim3A_491 : vector<16x1xi32> to vector<16xi32>
        %gather3A_493 = tpu.dynamic_gather %select_n3A_417[%gather3A_492] in [0] : vector<16xf32>, vector<16xi32> -> vector<16xf32>
        %select_n3A_494 = arith.select %eq3A_446, %gather3A_493, %select_n3A_433 : vector<16xi1>, vector<16xf32>
        %broadcast_in_dim3A_495 = vector.shape_cast %xor3A_440 : vector<16xi32> to vector<16x1xi32>
        %gather3A_496 = vector.shape_cast %broadcast_in_dim3A_495 : vector<16x1xi32> to vector<16xi32>
        %gather3A_497 = tpu.dynamic_gather %select_n3A_429[%gather3A_496] in [0] : vector<16xf32>, vector<16xi32> -> vector<16xf32>
        %select_n3A_498 = arith.select %eq3A_446, %select_n3A_413, %gather3A_497 : vector<16xi1>, vector<16xf32>
        %broadcast_in_dim3A_499 = vector.shape_cast %xor3A_440 : vector<16xi32> to vector<16x1xi32>
        %gather3A_500 = vector.shape_cast %broadcast_in_dim3A_499 : vector<16x1xi32> to vector<16xi32>
        %gather3A_501 = tpu.dynamic_gather %select_n3A_413[%gather3A_500] in [0] : vector<16xf32>, vector<16xi32> -> vector<16xf32>
        %select_n3A_502 = arith.select %eq3A_446, %gather3A_501, %select_n3A_429 : vector<16xi1>, vector<16xf32>
        %broadcast_in_dim3A_503 = vector.shape_cast %xor3A_440 : vector<16xi32> to vector<16x1xi32>
        %gather3A_504 = vector.shape_cast %broadcast_in_dim3A_503 : vector<16x1xi32> to vector<16xi32>
        %gather3A_505 = tpu.dynamic_gather %select_n3A_437[%gather3A_504] in [0] : vector<16xf32>, vector<16xi32> -> vector<16xf32>
        %select_n3A_506 = arith.select %eq3A_446, %select_n3A_421, %gather3A_505 : vector<16xi1>, vector<16xf32>
        %broadcast_in_dim3A_507 = vector.shape_cast %xor3A_440 : vector<16xi32> to vector<16x1xi32>
        %gather3A_508 = vector.shape_cast %broadcast_in_dim3A_507 : vector<16x1xi32> to vector<16xi32>
        %gather3A_509 = tpu.dynamic_gather %select_n3A_421[%gather3A_508] in [0] : vector<16xf32>, vector<16xi32> -> vector<16xf32>
        %select_n3A_510 = arith.select %eq3A_446, %gather3A_509, %select_n3A_437 : vector<16xi1>, vector<16xf32>
        %xor3A_511 = arith.constant 8 : i32
        %xor3A_512 = vector.broadcast %xor3A_511 : i32 to vector<16xi32>
        %xor3A_513 = arith.xori %iota3A, %xor3A_512 : vector<16xi32>
        %and3A_514 = arith.constant 8 : i32
        %and3A_515 = vector.broadcast %and3A_514 : i32 to vector<16xi32>
        %and3A_516 = arith.andi %iota3A, %and3A_515 : vector<16xi32>
        %eq3A_517 = arith.constant 0 : i32
        %eq3A_518 = vector.broadcast %eq3A_517 : i32 to vector<16xi32>
        %eq3A_519 = arith.cmpi eq, %and3A_516, %eq3A_518 : vector<16xi32>
        %broadcast_in_dim3A_520 = vector.shape_cast %xor3A_513 : vector<16xi32> to vector<16x1xi32>
        %gather3A_521 = vector.shape_cast %broadcast_in_dim3A_520 : vector<16x1xi32> to vector<16xi32>
        %gather3A_522 = tpu.dynamic_gather %select_n3A_482[%gather3A_521] in [0] : vector<16xf32>, vector<16xi32> -> vector<16xf32>
        %select_n3A_523 = arith.select %eq3A_519, %select_n3A_450, %gather3A_522 : vector<16xi1>, vector<16xf32>
        %broadcast_in_dim3A_524 = vector.shape_cast %xor3A_513 : vector<16xi32> to vector<16x1xi32>
        %gather3A_525 = vector.shape_cast %broadcast_in_dim3A_524 : vector<16x1xi32> to vector<16xi32>
        %gather3A_526 = tpu.dynamic_gather %select_n3A_450[%gather3A_525] in [0] : vector<16xf32>, vector<16xi32> -> vector<16xf32>
        %select_n3A_527 = arith.select %eq3A_519, %gather3A_526, %select_n3A_482 : vector<16xi1>, vector<16xf32>
        %broadcast_in_dim3A_528 = vector.shape_cast %xor3A_513 : vector<16xi32> to vector<16x1xi32>
        %gather3A_529 = vector.shape_cast %broadcast_in_dim3A_528 : vector<16x1xi32> to vector<16xi32>
        %gather3A_530 = tpu.dynamic_gather %select_n3A_490[%gather3A_529] in [0] : vector<16xf32>, vector<16xi32> -> vector<16xf32>
        %select_n3A_531 = arith.select %eq3A_519, %select_n3A_458, %gather3A_530 : vector<16xi1>, vector<16xf32>
        %broadcast_in_dim3A_532 = vector.shape_cast %xor3A_513 : vector<16xi32> to vector<16x1xi32>
        %gather3A_533 = vector.shape_cast %broadcast_in_dim3A_532 : vector<16x1xi32> to vector<16xi32>
        %gather3A_534 = tpu.dynamic_gather %select_n3A_458[%gather3A_533] in [0] : vector<16xf32>, vector<16xi32> -> vector<16xf32>
        %select_n3A_535 = arith.select %eq3A_519, %gather3A_534, %select_n3A_490 : vector<16xi1>, vector<16xf32>
        %broadcast_in_dim3A_536 = vector.shape_cast %xor3A_513 : vector<16xi32> to vector<16x1xi32>
        %gather3A_537 = vector.shape_cast %broadcast_in_dim3A_536 : vector<16x1xi32> to vector<16xi32>
        %gather3A_538 = tpu.dynamic_gather %select_n3A_498[%gather3A_537] in [0] : vector<16xf32>, vector<16xi32> -> vector<16xf32>
        %select_n3A_539 = arith.select %eq3A_519, %select_n3A_466, %gather3A_538 : vector<16xi1>, vector<16xf32>
        %broadcast_in_dim3A_540 = vector.shape_cast %xor3A_513 : vector<16xi32> to vector<16x1xi32>
        %gather3A_541 = vector.shape_cast %broadcast_in_dim3A_540 : vector<16x1xi32> to vector<16xi32>
        %gather3A_542 = tpu.dynamic_gather %select_n3A_466[%gather3A_541] in [0] : vector<16xf32>, vector<16xi32> -> vector<16xf32>
        %select_n3A_543 = arith.select %eq3A_519, %gather3A_542, %select_n3A_498 : vector<16xi1>, vector<16xf32>
        %broadcast_in_dim3A_544 = vector.shape_cast %xor3A_513 : vector<16xi32> to vector<16x1xi32>
        %gather3A_545 = vector.shape_cast %broadcast_in_dim3A_544 : vector<16x1xi32> to vector<16xi32>
        %gather3A_546 = tpu.dynamic_gather %select_n3A_506[%gather3A_545] in [0] : vector<16xf32>, vector<16xi32> -> vector<16xf32>
        %select_n3A_547 = arith.select %eq3A_519, %select_n3A_474, %gather3A_546 : vector<16xi1>, vector<16xf32>
        %broadcast_in_dim3A_548 = vector.shape_cast %xor3A_513 : vector<16xi32> to vector<16x1xi32>
        %gather3A_549 = vector.shape_cast %broadcast_in_dim3A_548 : vector<16x1xi32> to vector<16xi32>
        %gather3A_550 = tpu.dynamic_gather %select_n3A_474[%gather3A_549] in [0] : vector<16xf32>, vector<16xi32> -> vector<16xf32>
        %select_n3A_551 = arith.select %eq3A_519, %gather3A_550, %select_n3A_506 : vector<16xi1>, vector<16xf32>
        %broadcast_in_dim3A_552 = vector.shape_cast %xor3A_513 : vector<16xi32> to vector<16x1xi32>
        %gather3A_553 = vector.shape_cast %broadcast_in_dim3A_552 : vector<16x1xi32> to vector<16xi32>
        %gather3A_554 = tpu.dynamic_gather %select_n3A_486[%gather3A_553] in [0] : vector<16xf32>, vector<16xi32> -> vector<16xf32>
        %select_n3A_555 = arith.select %eq3A_519, %select_n3A_454, %gather3A_554 : vector<16xi1>, vector<16xf32>
        %broadcast_in_dim3A_556 = vector.shape_cast %xor3A_513 : vector<16xi32> to vector<16x1xi32>
        %gather3A_557 = vector.shape_cast %broadcast_in_dim3A_556 : vector<16x1xi32> to vector<16xi32>
        %gather3A_558 = tpu.dynamic_gather %select_n3A_454[%gather3A_557] in [0] : vector<16xf32>, vector<16xi32> -> vector<16xf32>
        %select_n3A_559 = arith.select %eq3A_519, %gather3A_558, %select_n3A_486 : vector<16xi1>, vector<16xf32>
        %broadcast_in_dim3A_560 = vector.shape_cast %xor3A_513 : vector<16xi32> to vector<16x1xi32>
        %gather3A_561 = vector.shape_cast %broadcast_in_dim3A_560 : vector<16x1xi32> to vector<16xi32>
        %gather3A_562 = tpu.dynamic_gather %select_n3A_494[%gather3A_561] in [0] : vector<16xf32>, vector<16xi32> -> vector<16xf32>
        %select_n3A_563 = arith.select %eq3A_519, %select_n3A_462, %gather3A_562 : vector<16xi1>, vector<16xf32>
        %broadcast_in_dim3A_564 = vector.shape_cast %xor3A_513 : vector<16xi32> to vector<16x1xi32>
        %gather3A_565 = vector.shape_cast %broadcast_in_dim3A_564 : vector<16x1xi32> to vector<16xi32>
        %gather3A_566 = tpu.dynamic_gather %select_n3A_462[%gather3A_565] in [0] : vector<16xf32>, vector<16xi32> -> vector<16xf32>
        %select_n3A_567 = arith.select %eq3A_519, %gather3A_566, %select_n3A_494 : vector<16xi1>, vector<16xf32>
        %broadcast_in_dim3A_568 = vector.shape_cast %xor3A_513 : vector<16xi32> to vector<16x1xi32>
        %gather3A_569 = vector.shape_cast %broadcast_in_dim3A_568 : vector<16x1xi32> to vector<16xi32>
        %gather3A_570 = tpu.dynamic_gather %select_n3A_502[%gather3A_569] in [0] : vector<16xf32>, vector<16xi32> -> vector<16xf32>
        %select_n3A_571 = arith.select %eq3A_519, %select_n3A_470, %gather3A_570 : vector<16xi1>, vector<16xf32>
        %broadcast_in_dim3A_572 = vector.shape_cast %xor3A_513 : vector<16xi32> to vector<16x1xi32>
        %gather3A_573 = vector.shape_cast %broadcast_in_dim3A_572 : vector<16x1xi32> to vector<16xi32>
        %gather3A_574 = tpu.dynamic_gather %select_n3A_470[%gather3A_573] in [0] : vector<16xf32>, vector<16xi32> -> vector<16xf32>
        %select_n3A_575 = arith.select %eq3A_519, %gather3A_574, %select_n3A_502 : vector<16xi1>, vector<16xf32>
        %broadcast_in_dim3A_576 = vector.shape_cast %xor3A_513 : vector<16xi32> to vector<16x1xi32>
        %gather3A_577 = vector.shape_cast %broadcast_in_dim3A_576 : vector<16x1xi32> to vector<16xi32>
        %gather3A_578 = tpu.dynamic_gather %select_n3A_510[%gather3A_577] in [0] : vector<16xf32>, vector<16xi32> -> vector<16xf32>
        %select_n3A_579 = arith.select %eq3A_519, %select_n3A_478, %gather3A_578 : vector<16xi1>, vector<16xf32>
        %broadcast_in_dim3A_580 = vector.shape_cast %xor3A_513 : vector<16xi32> to vector<16x1xi32>
        %gather3A_581 = vector.shape_cast %broadcast_in_dim3A_580 : vector<16x1xi32> to vector<16xi32>
        %gather3A_582 = tpu.dynamic_gather %select_n3A_478[%gather3A_581] in [0] : vector<16xf32>, vector<16xi32> -> vector<16xf32>
        %select_n3A_583 = arith.select %eq3A_519, %gather3A_582, %select_n3A_510 : vector<16xi1>, vector<16xf32>
        %eq3A_584 = arith.constant 0 : i32
        %eq3A_585 = vector.broadcast %eq3A_584 : i32 to vector<16xi32>
        %eq3A_586 = arith.cmpi eq, %get3A_107, %eq3A_585 : vector<16xi32>
        %broadcast_in_dim3A_587 = arith.constant 0.000000e+00 : f32
        %broadcast_in_dim3A_588 = vector.broadcast %broadcast_in_dim3A_587 : f32 to vector<16xf32>
        %select_n3A_589 = arith.select %eq3A_586, %broadcast_in_dim3A_588, %select_n3A_523 : vector<16xi1>, vector<16xf32>
        %add3A_590 = arith.constant 0 : i32
        %add3A_591 = arith.addi %add3A_590, %mul3A_105 : i32
        %swap3A = arith.constant 0 : i32
        %swap3A_592 = arith.index_cast %swap3A : i32 to index
        %swap3A_593 = arith.index_cast %add3A_591 : i32 to index
        %swap3A_594 = tpu.vector_load %arg11[%swap3A_592, %swap3A_593] {strides = array<i32>} : memref<16x512xf32, #tpu.memory_space<vmem>>, vector<1x16xf32>,
        %swap3A_595 = vector.shape_cast %swap3A_594 : vector<1x16xf32> to vector<16xf32>
        %swap3A_596 = vector.shape_cast %select_n3A_589 : vector<16xf32> to vector<1x16xf32>
        tpu.vector_store %arg11[%swap3A_592, %swap3A_593], %swap3A_596 {strides = array<i32>} : memref<16x512xf32, #tpu.memory_space<vmem>>, vector<1x16xf32>,
        %select_n3A_597 = arith.select %eq3A_586, %broadcast_in_dim3A_588, %select_n3A_531 : vector<16xi1>, vector<16xf32>
        %add3A_598 = arith.constant 0 : i32
        %add3A_599 = arith.addi %add3A_598, %mul3A_105 : i32
        %swap3A_600 = arith.constant 1 : i32
        %swap3A_601 = arith.index_cast %swap3A_600 : i32 to index
        %swap3A_602 = arith.index_cast %add3A_599 : i32 to index
        %swap3A_603 = tpu.vector_load %arg11[%swap3A_601, %swap3A_602] {strides = array<i32>} : memref<16x512xf32, #tpu.memory_space<vmem>>, vector<1x16xf32>,
        %swap3A_604 = vector.shape_cast %swap3A_603 : vector<1x16xf32> to vector<16xf32>
        %swap3A_605 = vector.shape_cast %select_n3A_597 : vector<16xf32> to vector<1x16xf32>
        tpu.vector_store %arg11[%swap3A_601, %swap3A_602], %swap3A_605 {strides = array<i32>} : memref<16x512xf32, #tpu.memory_space<vmem>>, vector<1x16xf32>,
        %select_n3A_606 = arith.select %eq3A_586, %broadcast_in_dim3A_588, %select_n3A_539 : vector<16xi1>, vector<16xf32>
        %add3A_607 = arith.constant 0 : i32
        %add3A_608 = arith.addi %add3A_607, %mul3A_105 : i32
        %swap3A_609 = arith.constant 2 : i32
        %swap3A_610 = arith.index_cast %swap3A_609 : i32 to index
        %swap3A_611 = arith.index_cast %add3A_608 : i32 to index
        %swap3A_612 = tpu.vector_load %arg11[%swap3A_610, %swap3A_611] {strides = array<i32>} : memref<16x512xf32, #tpu.memory_space<vmem>>, vector<1x16xf32>,
        %swap3A_613 = vector.shape_cast %swap3A_612 : vector<1x16xf32> to vector<16xf32>
        %swap3A_614 = vector.shape_cast %select_n3A_606 : vector<16xf32> to vector<1x16xf32>
        tpu.vector_store %arg11[%swap3A_610, %swap3A_611], %swap3A_614 {strides = array<i32>} : memref<16x512xf32, #tpu.memory_space<vmem>>, vector<1x16xf32>,
        %select_n3A_615 = arith.select %eq3A_586, %broadcast_in_dim3A_588, %select_n3A_547 : vector<16xi1>, vector<16xf32>
        %add3A_616 = arith.constant 0 : i32
        %add3A_617 = arith.addi %add3A_616, %mul3A_105 : i32
        %swap3A_618 = arith.constant 3 : i32
        %swap3A_619 = arith.index_cast %swap3A_618 : i32 to index
        %swap3A_620 = arith.index_cast %add3A_617 : i32 to index
        %swap3A_621 = tpu.vector_load %arg11[%swap3A_619, %swap3A_620] {strides = array<i32>} : memref<16x512xf32, #tpu.memory_space<vmem>>, vector<1x16xf32>,
        %swap3A_622 = vector.shape_cast %swap3A_621 : vector<1x16xf32> to vector<16xf32>
        %swap3A_623 = vector.shape_cast %select_n3A_615 : vector<16xf32> to vector<1x16xf32>
        tpu.vector_store %arg11[%swap3A_619, %swap3A_620], %swap3A_623 {strides = array<i32>} : memref<16x512xf32, #tpu.memory_space<vmem>>, vector<1x16xf32>,
        %select_n3A_624 = arith.select %eq3A_586, %broadcast_in_dim3A_588, %select_n3A_555 : vector<16xi1>, vector<16xf32>
        %add3A_625 = arith.constant 0 : i32
        %add3A_626 = arith.addi %add3A_625, %mul3A_105 : i32
        %swap3A_627 = arith.constant 4 : i32
        %swap3A_628 = arith.index_cast %swap3A_627 : i32 to index
        %swap3A_629 = arith.index_cast %add3A_626 : i32 to index
        %swap3A_630 = tpu.vector_load %arg11[%swap3A_628, %swap3A_629] {strides = array<i32>} : memref<16x512xf32, #tpu.memory_space<vmem>>, vector<1x16xf32>,
        %swap3A_631 = vector.shape_cast %swap3A_630 : vector<1x16xf32> to vector<16xf32>
        %swap3A_632 = vector.shape_cast %select_n3A_624 : vector<16xf32> to vector<1x16xf32>
        tpu.vector_store %arg11[%swap3A_628, %swap3A_629], %swap3A_632 {strides = array<i32>} : memref<16x512xf32, #tpu.memory_space<vmem>>, vector<1x16xf32>,
        %select_n3A_633 = arith.select %eq3A_586, %broadcast_in_dim3A_588, %select_n3A_563 : vector<16xi1>, vector<16xf32>
        %add3A_634 = arith.constant 0 : i32
        %add3A_635 = arith.addi %add3A_634, %mul3A_105 : i32
        %swap3A_636 = arith.constant 5 : i32
        %swap3A_637 = arith.index_cast %swap3A_636 : i32 to index
        %swap3A_638 = arith.index_cast %add3A_635 : i32 to index
        %swap3A_639 = tpu.vector_load %arg11[%swap3A_637, %swap3A_638] {strides = array<i32>} : memref<16x512xf32, #tpu.memory_space<vmem>>, vector<1x16xf32>,
        %swap3A_640 = vector.shape_cast %swap3A_639 : vector<1x16xf32> to vector<16xf32>
        %swap3A_641 = vector.shape_cast %select_n3A_633 : vector<16xf32> to vector<1x16xf32>
        tpu.vector_store %arg11[%swap3A_637, %swap3A_638], %swap3A_641 {strides = array<i32>} : memref<16x512xf32, #tpu.memory_space<vmem>>, vector<1x16xf32>,
        %select_n3A_642 = arith.select %eq3A_586, %broadcast_in_dim3A_588, %select_n3A_571 : vector<16xi1>, vector<16xf32>
        %add3A_643 = arith.constant 0 : i32
        %add3A_644 = arith.addi %add3A_643, %mul3A_105 : i32
        %swap3A_645 = arith.constant 6 : i32
        %swap3A_646 = arith.index_cast %swap3A_645 : i32 to index
        %swap3A_647 = arith.index_cast %add3A_644 : i32 to index
        %swap3A_648 = tpu.vector_load %arg11[%swap3A_646, %swap3A_647] {strides = array<i32>} : memref<16x512xf32, #tpu.memory_space<vmem>>, vector<1x16xf32>,
        %swap3A_649 = vector.shape_cast %swap3A_648 : vector<1x16xf32> to vector<16xf32>
        %swap3A_650 = vector.shape_cast %select_n3A_642 : vector<16xf32> to vector<1x16xf32>
        tpu.vector_store %arg11[%swap3A_646, %swap3A_647], %swap3A_650 {strides = array<i32>} : memref<16x512xf32, #tpu.memory_space<vmem>>, vector<1x16xf32>,
        %select_n3A_651 = arith.select %eq3A_586, %broadcast_in_dim3A_588, %select_n3A_579 : vector<16xi1>, vector<16xf32>
        %add3A_652 = arith.constant 0 : i32
        %add3A_653 = arith.addi %add3A_652, %mul3A_105 : i32
        %swap3A_654 = arith.constant 7 : i32
        %swap3A_655 = arith.index_cast %swap3A_654 : i32 to index
        %swap3A_656 = arith.index_cast %add3A_653 : i32 to index
        %swap3A_657 = tpu.vector_load %arg11[%swap3A_655, %swap3A_656] {strides = array<i32>} : memref<16x512xf32, #tpu.memory_space<vmem>>, vector<1x16xf32>,
        %swap3A_658 = vector.shape_cast %swap3A_657 : vector<1x16xf32> to vector<16xf32>
        %swap3A_659 = vector.shape_cast %select_n3A_651 : vector<16xf32> to vector<1x16xf32>
        tpu.vector_store %arg11[%swap3A_655, %swap3A_656], %swap3A_659 {strides = array<i32>} : memref<16x512xf32, #tpu.memory_space<vmem>>, vector<1x16xf32>,
        %select_n3A_660 = arith.select %eq3A_586, %broadcast_in_dim3A_588, %select_n3A_527 : vector<16xi1>, vector<16xf32>
        %add3A_661 = arith.constant 0 : i32
        %add3A_662 = arith.addi %add3A_661, %mul3A_105 : i32
        %swap3A_663 = arith.constant 8 : i32
        %swap3A_664 = arith.index_cast %swap3A_663 : i32 to index
        %swap3A_665 = arith.index_cast %add3A_662 : i32 to index
        %swap3A_666 = tpu.vector_load %arg11[%swap3A_664, %swap3A_665] {strides = array<i32>} : memref<16x512xf32, #tpu.memory_space<vmem>>, vector<1x16xf32>,
        %swap3A_667 = vector.shape_cast %swap3A_666 : vector<1x16xf32> to vector<16xf32>
        %swap3A_668 = vector.shape_cast %select_n3A_660 : vector<16xf32> to vector<1x16xf32>
        tpu.vector_store %arg11[%swap3A_664, %swap3A_665], %swap3A_668 {strides = array<i32>} : memref<16x512xf32, #tpu.memory_space<vmem>>, vector<1x16xf32>,
        %select_n3A_669 = arith.select %eq3A_586, %broadcast_in_dim3A_588, %select_n3A_535 : vector<16xi1>, vector<16xf32>
        %add3A_670 = arith.constant 0 : i32
        %add3A_671 = arith.addi %add3A_670, %mul3A_105 : i32
        %swap3A_672 = arith.constant 9 : i32
        %swap3A_673 = arith.index_cast %swap3A_672 : i32 to index
        %swap3A_674 = arith.index_cast %add3A_671 : i32 to index
        %swap3A_675 = tpu.vector_load %arg11[%swap3A_673, %swap3A_674] {strides = array<i32>} : memref<16x512xf32, #tpu.memory_space<vmem>>, vector<1x16xf32>,
        %swap3A_676 = vector.shape_cast %swap3A_675 : vector<1x16xf32> to vector<16xf32>
        %swap3A_677 = vector.shape_cast %select_n3A_669 : vector<16xf32> to vector<1x16xf32>
        tpu.vector_store %arg11[%swap3A_673, %swap3A_674], %swap3A_677 {strides = array<i32>} : memref<16x512xf32, #tpu.memory_space<vmem>>, vector<1x16xf32>,
        %select_n3A_678 = arith.select %eq3A_586, %broadcast_in_dim3A_588, %select_n3A_543 : vector<16xi1>, vector<16xf32>
        %add3A_679 = arith.constant 0 : i32
        %add3A_680 = arith.addi %add3A_679, %mul3A_105 : i32
        %swap3A_681 = arith.constant 10 : i32
        %swap3A_682 = arith.index_cast %swap3A_681 : i32 to index
        %swap3A_683 = arith.index_cast %add3A_680 : i32 to index
        %swap3A_684 = tpu.vector_load %arg11[%swap3A_682, %swap3A_683] {strides = array<i32>} : memref<16x512xf32, #tpu.memory_space<vmem>>, vector<1x16xf32>,
        %swap3A_685 = vector.shape_cast %swap3A_684 : vector<1x16xf32> to vector<16xf32>
        %swap3A_686 = vector.shape_cast %select_n3A_678 : vector<16xf32> to vector<1x16xf32>
        tpu.vector_store %arg11[%swap3A_682, %swap3A_683], %swap3A_686 {strides = array<i32>} : memref<16x512xf32, #tpu.memory_space<vmem>>, vector<1x16xf32>,
        %select_n3A_687 = arith.select %eq3A_586, %broadcast_in_dim3A_588, %select_n3A_551 : vector<16xi1>, vector<16xf32>
        %add3A_688 = arith.constant 0 : i32
        %add3A_689 = arith.addi %add3A_688, %mul3A_105 : i32
        %swap3A_690 = arith.constant 11 : i32
        %swap3A_691 = arith.index_cast %swap3A_690 : i32 to index
        %swap3A_692 = arith.index_cast %add3A_689 : i32 to index
        %swap3A_693 = tpu.vector_load %arg11[%swap3A_691, %swap3A_692] {strides = array<i32>} : memref<16x512xf32, #tpu.memory_space<vmem>>, vector<1x16xf32>,
        %swap3A_694 = vector.shape_cast %swap3A_693 : vector<1x16xf32> to vector<16xf32>
        %swap3A_695 = vector.shape_cast %select_n3A_687 : vector<16xf32> to vector<1x16xf32>
        tpu.vector_store %arg11[%swap3A_691, %swap3A_692], %swap3A_695 {strides = array<i32>} : memref<16x512xf32, #tpu.memory_space<vmem>>, vector<1x16xf32>,
        %select_n3A_696 = arith.select %eq3A_586, %broadcast_in_dim3A_588, %select_n3A_559 : vector<16xi1>, vector<16xf32>
        %add3A_697 = arith.constant 0 : i32
        %add3A_698 = arith.addi %add3A_697, %mul3A_105 : i32
        %swap3A_699 = arith.constant 12 : i32
        %swap3A_700 = arith.index_cast %swap3A_699 : i32 to index
        %swap3A_701 = arith.index_cast %add3A_698 : i32 to index
        %swap3A_702 = tpu.vector_load %arg11[%swap3A_700, %swap3A_701] {strides = array<i32>} : memref<16x512xf32, #tpu.memory_space<vmem>>, vector<1x16xf32>,
        %swap3A_703 = vector.shape_cast %swap3A_702 : vector<1x16xf32> to vector<16xf32>
        %swap3A_704 = vector.shape_cast %select_n3A_696 : vector<16xf32> to vector<1x16xf32>
        tpu.vector_store %arg11[%swap3A_700, %swap3A_701], %swap3A_704 {strides = array<i32>} : memref<16x512xf32, #tpu.memory_space<vmem>>, vector<1x16xf32>,
        %select_n3A_705 = arith.select %eq3A_586, %broadcast_in_dim3A_588, %select_n3A_567 : vector<16xi1>, vector<16xf32>
        %add3A_706 = arith.constant 0 : i32
        %add3A_707 = arith.addi %add3A_706, %mul3A_105 : i32
        %swap3A_708 = arith.constant 13 : i32
        %swap3A_709 = arith.index_cast %swap3A_708 : i32 to index
        %swap3A_710 = arith.index_cast %add3A_707 : i32 to index
        %swap3A_711 = tpu.vector_load %arg11[%swap3A_709, %swap3A_710] {strides = array<i32>} : memref<16x512xf32, #tpu.memory_space<vmem>>, vector<1x16xf32>,
        %swap3A_712 = vector.shape_cast %swap3A_711 : vector<1x16xf32> to vector<16xf32>
        %swap3A_713 = vector.shape_cast %select_n3A_705 : vector<16xf32> to vector<1x16xf32>
        tpu.vector_store %arg11[%swap3A_709, %swap3A_710], %swap3A_713 {strides = array<i32>} : memref<16x512xf32, #tpu.memory_space<vmem>>, vector<1x16xf32>,
        %select_n3A_714 = arith.select %eq3A_586, %broadcast_in_dim3A_588, %select_n3A_575 : vector<16xi1>, vector<16xf32>
        %add3A_715 = arith.constant 0 : i32
        %add3A_716 = arith.addi %add3A_715, %mul3A_105 : i32
        %swap3A_717 = arith.constant 14 : i32
        %swap3A_718 = arith.index_cast %swap3A_717 : i32 to index
        %swap3A_719 = arith.index_cast %add3A_716 : i32 to index
        %swap3A_720 = tpu.vector_load %arg11[%swap3A_718, %swap3A_719] {strides = array<i32>} : memref<16x512xf32, #tpu.memory_space<vmem>>, vector<1x16xf32>,
        %swap3A_721 = vector.shape_cast %swap3A_720 : vector<1x16xf32> to vector<16xf32>
        %swap3A_722 = vector.shape_cast %select_n3A_714 : vector<16xf32> to vector<1x16xf32>
        tpu.vector_store %arg11[%swap3A_718, %swap3A_719], %swap3A_722 {strides = array<i32>} : memref<16x512xf32, #tpu.memory_space<vmem>>, vector<1x16xf32>,
        %select_n3A_723 = arith.select %eq3A_586, %broadcast_in_dim3A_588, %select_n3A_583 : vector<16xi1>, vector<16xf32>
        %add3A_724 = arith.constant 0 : i32
        %add3A_725 = arith.addi %add3A_724, %mul3A_105 : i32
        %swap3A_726 = arith.constant 15 : i32
        %swap3A_727 = arith.index_cast %swap3A_726 : i32 to index
        %swap3A_728 = arith.index_cast %add3A_725 : i32 to index
        %swap3A_729 = tpu.vector_load %arg11[%swap3A_727, %swap3A_728] {strides = array<i32>} : memref<16x512xf32, #tpu.memory_space<vmem>>, vector<1x16xf32>,
        %swap3A_730 = vector.shape_cast %swap3A_729 : vector<1x16xf32> to vector<16xf32>
        %swap3A_731 = vector.shape_cast %select_n3A_723 : vector<16xf32> to vector<1x16xf32>
        tpu.vector_store %arg11[%swap3A_727, %swap3A_728], %swap3A_731 {strides = array<i32>} : memref<16x512xf32, #tpu.memory_space<vmem>>, vector<1x16xf32>,
      }
      %scan3A_76 = arith.constant 16 : i32
      %dma_wait3A_77 = arith.constant 0 : i32
      %dma_wait3A_78 = arith.constant 0 : i32
      %dma_wait3A_79 = tpu.memref_slice %arg10[%dma_wait3A_77, %dma_wait3A_78] : memref<256x128xf32, #tpu.memory_space<vmem>> -> memref<128x128xf32, #tpu.memory_space<vmem>>
      %dma_wait3A_80 = arith.constant 0 : i32
      %dma_wait3A_81 = tpu.memref_slice %arg8[%dma_wait3A_80] : memref<256xi32, #tpu.memory_space<vmem>> -> memref<128xi32, #tpu.memory_space<vmem>>
      %dma_wait3A_82 = arith.constant 0 : i32
      %dma_wait3A_83 = arith.constant 0 : i32
      %dma_wait3A_84 = tpu.memref_slice %arg3[%dma_wait3A_82, %dma_wait3A_83] : memref<125000x128xf32, #tpu.memory_space<hbm>> -> memref<125000x128xf32, #tpu.memory_space<hbm>>
      tpu.wait_indirect_dma semaphore(%arg13 : memref<!tpu.dma_semaphore, #tpu.memory_space<semaphore_mem>>) src(%dma_wait3A_84 : memref<125000x128xf32, #tpu.memory_space<hbm>>) dst(%dma_wait3A_79 : memref<128x128xf32, #tpu.memory_space<vmem>>)
      %dma_wait3A_85 = arith.constant 128 : i32
      %dma_wait3A_86 = arith.constant 0 : i32
      %dma_wait3A_87 = tpu.memref_slice %arg10[%dma_wait3A_85, %dma_wait3A_86] : memref<256x128xf32, #tpu.memory_space<vmem>> -> memref<128x128xf32, #tpu.memory_space<vmem>>
      %dma_wait3A_88 = arith.constant 128 : i32
      %dma_wait3A_89 = tpu.memref_slice %arg8[%dma_wait3A_88] : memref<256xi32, #tpu.memory_space<vmem>> -> memref<128xi32, #tpu.memory_space<vmem>>
      %dma_wait3A_90 = arith.constant 0 : i32
      %dma_wait3A_91 = arith.constant 0 : i32
      %dma_wait3A_92 = tpu.memref_slice %arg3[%dma_wait3A_90, %dma_wait3A_91] : memref<125000x128xf32, #tpu.memory_space<hbm>> -> memref<125000x128xf32, #tpu.memory_space<hbm>>
      tpu.wait_indirect_dma semaphore(%arg13 : memref<!tpu.dma_semaphore, #tpu.memory_space<semaphore_mem>>) src(%dma_wait3A_92 : memref<125000x128xf32, #tpu.memory_space<hbm>>) dst(%dma_wait3A_87 : memref<128x128xf32, #tpu.memory_space<vmem>>)
      %add3A_93 = arith.constant 1 : i32
      %add3A_94 = arith.addi %scan3A_31, %add3A_93 : i32
      %lt3A = arith.constant 50 : i32
      %lt3A_95 = arith.cmpi slt, %add3A_94, %lt3A : i32
      %convert_element_type3A = arith.extui %lt3A_95 : i1 to i32
      %cond3A = arith.constant 0 : i32
      %cond3A_96 = arith.cmpi ne, %convert_element_type3A, %cond3A : i32
      scf.if %cond3A_96 {
        %add3A_103 = arith.constant 1 : i32
        %add3A_104 = arith.addi %scan3A_31, %add3A_103 : i32
        %add3A_105 = arith.constant 0 : i32
        %add3A_106 = arith.addi %mul3A_2, %add3A_105 : i32
        "tpu.region"() ({
          %run_scoped3A_129 = tpu.sem_alloc : memref<!tpu.dma_semaphore, #tpu.memory_space<semaphore_mem>>
          %dma_start3A_130 = tpu.memref_slice %arg2[%add3A_104, %add3A_106] : memref<50x16384xi32, #tpu.memory_space<hbm>> -> memref<1x256xi32, #tpu.memory_space<hbm>>
          %dma_start3A_131 = tpu.memref_squeeze %dma_start3A_130 : memref<1x256xi32, #tpu.memory_space<hbm>> -> memref<256xi32, #tpu.memory_space<hbm>>
          %dma_start3A_132 = tpu.memref_slice %arg2[%add3A_104, %add3A_106] : memref<50x16384xi32, #tpu.memory_space<hbm>> -> memref<1x256xi32, #tpu.memory_space<hbm>>
          %dma_start3A_133 = tpu.memref_squeeze %dma_start3A_132 : memref<1x256xi32, #tpu.memory_space<hbm>> -> memref<256xi32, #tpu.memory_space<hbm>>
          tpu.enqueue_dma source(%dma_start3A_133 : memref<256xi32, #tpu.memory_space<hbm>>) target(%arg5 : memref<256xi32, #tpu.memory_space<vmem>>) target_semaphore(%run_scoped3A_129 : memref<!tpu.dma_semaphore, #tpu.memory_space<semaphore_mem>>)
          %dma_wait3A_134 = tpu.memref_slice %arg2[%add3A_104, %add3A_106] : memref<50x16384xi32, #tpu.memory_space<hbm>> -> memref<1x256xi32, #tpu.memory_space<hbm>>
          %dma_wait3A_135 = tpu.memref_squeeze %dma_wait3A_134 : memref<1x256xi32, #tpu.memory_space<hbm>> -> memref<256xi32, #tpu.memory_space<hbm>>
          %dma_wait3A_136 = tpu.memref_slice %arg2[%add3A_104, %add3A_106] : memref<50x16384xi32, #tpu.memory_space<hbm>> -> memref<1x256xi32, #tpu.memory_space<hbm>>
          %dma_wait3A_137 = tpu.memref_squeeze %dma_wait3A_136 : memref<1x256xi32, #tpu.memory_space<hbm>> -> memref<256xi32, #tpu.memory_space<hbm>>
          tpu.wait_dma2 semaphore(%run_scoped3A_129 : memref<!tpu.dma_semaphore, #tpu.memory_space<semaphore_mem>>) src(%dma_wait3A_137 : memref<256xi32, #tpu.memory_space<hbm>>) dst(%arg5 : memref<256xi32, #tpu.memory_space<vmem>>)
          tpu.yield
        }) : () -> ()
        %scan3A_107 = arith.constant 0 : i32
        %scan3A_108 = arith.constant 0 : i32
        %scan3A_109 = arith.constant 16 : i32
        %scan3A_110 = arith.addi %scan3A_108, %scan3A_109 : i32
        %scan3A_111 = arith.constant 1 : i32
        scf.for %scan3A_129 = %scan3A_108 to %scan3A_110 step %scan3A_111  : i32 {
          %mul3A_130 = arith.constant 16 : i32
          %mul3A_131 = arith.muli %scan3A_129, %mul3A_130 : i32
          %get3A = arith.index_cast %mul3A_131 : i32 to index
          %get3A_132 = tpu.vector_load %arg5[%get3A] {strides = array<i32>} : memref<256xi32, #tpu.memory_space<vmem>>, vector<16xi32>,
          %get3A_133 = vector.shape_cast %get3A_132 : vector<16xi32> to vector<16xi32>
          %shift_right_arithmetic3A = arith.constant 3 : i32
          %shift_right_arithmetic3A_134 = vector.broadcast %shift_right_arithmetic3A : i32 to vector<16xi32>
          %shift_right_arithmetic3A_135 = arith.shrsi %get3A_133, %shift_right_arithmetic3A_134 : vector<16xi32>
          %swap3A = arith.index_cast %mul3A_131 : i32 to index
          %swap3A_136 = tpu.vector_load %arg7[%swap3A] {strides = array<i32>} : memref<256xi32, #tpu.memory_space<vmem>>, vector<16xi32>,
          %swap3A_137 = vector.shape_cast %swap3A_136 : vector<16xi32> to vector<16xi32>
          %swap3A_138 = vector.shape_cast %shift_right_arithmetic3A_135 : vector<16xi32> to vector<16xi32>
          tpu.vector_store %arg7[%swap3A], %swap3A_138 {strides = array<i32>} : memref<256xi32, #tpu.memory_space<vmem>>, vector<16xi32>,
        }
        %scan3A_112 = arith.constant 16 : i32
        %dma_start3A_113 = arith.constant 0 : i32
        %dma_start3A_114 = arith.constant 0 : i32
        %dma_start3A_115 = tpu.memref_slice %arg9[%dma_start3A_113, %dma_start3A_114] : memref<256x128xf32, #tpu.memory_space<vmem>> -> memref<128x128xf32, #tpu.memory_space<vmem>>
        %dma_start3A_116 = arith.constant 0 : i32
        %dma_start3A_117 = tpu.memref_slice %arg7[%dma_start3A_116] : memref<256xi32, #tpu.memory_space<vmem>> -> memref<128xi32, #tpu.memory_space<vmem>>
        %dma_start3A_118 = arith.constant 0 : i32
        %dma_start3A_119 = arith.constant 0 : i32
        %dma_start3A_120 = tpu.memref_slice %arg3[%dma_start3A_118, %dma_start3A_119] : memref<125000x128xf32, #tpu.memory_space<hbm>> -> memref<125000x128xf32, #tpu.memory_space<hbm>>
        tpu.enqueue_indirect_dma source(%dma_start3A_120 : memref<125000x128xf32, #tpu.memory_space<hbm>>) target(%dma_start3A_115 : memref<128x128xf32, #tpu.memory_space<vmem>>) offsets(%dma_start3A_117 : memref<128xi32, #tpu.memory_space<vmem>>) semaphore(%arg12 : memref<!tpu.dma_semaphore, #tpu.memory_space<semaphore_mem>>)
        %dma_start3A_121 = arith.constant 128 : i32
        %dma_start3A_122 = arith.constant 0 : i32
        %dma_start3A_123 = tpu.memref_slice %arg9[%dma_start3A_121, %dma_start3A_122] : memref<256x128xf32, #tpu.memory_space<vmem>> -> memref<128x128xf32, #tpu.memory_space<vmem>>
        %dma_start3A_124 = arith.constant 128 : i32
        %dma_start3A_125 = tpu.memref_slice %arg7[%dma_start3A_124] : memref<256xi32, #tpu.memory_space<vmem>> -> memref<128xi32, #tpu.memory_space<vmem>>
        %dma_start3A_126 = arith.constant 0 : i32
        %dma_start3A_127 = arith.constant 0 : i32
        %dma_start3A_128 = tpu.memref_slice %arg3[%dma_start3A_126, %dma_start3A_127] : memref<125000x128xf32, #tpu.memory_space<hbm>> -> memref<125000x128xf32, #tpu.memory_space<hbm>>
        tpu.enqueue_indirect_dma source(%dma_start3A_128 : memref<125000x128xf32, #tpu.memory_space<hbm>>) target(%dma_start3A_123 : memref<128x128xf32, #tpu.memory_space<vmem>>) offsets(%dma_start3A_125 : memref<128xi32, #tpu.memory_space<vmem>>) semaphore(%arg12 : memref<!tpu.dma_semaphore, #tpu.memory_space<semaphore_mem>>)
      } else {
      }
      %scan3A_97 = arith.constant 0 : i32
      %scan3A_98 = arith.constant 0 : i32
      %scan3A_99 = arith.constant 16 : i32
      %scan3A_100 = arith.addi %scan3A_98, %scan3A_99 : i32
      %scan3A_101 = arith.constant 1 : i32
      scf.for %scan3A_103 = %scan3A_98 to %scan3A_100 step %scan3A_101  : i32 {
        %mul3A_104 = arith.constant 16 : i32
        %mul3A_105 = arith.muli %scan3A_103, %mul3A_104 : i32
        %get3A = arith.index_cast %mul3A_105 : i32 to index
        %get3A_106 = tpu.vector_load %arg6[%get3A] {strides = array<i32>} : memref<256xi32, #tpu.memory_space<vmem>>, vector<16xi32>,
        %get3A_107 = vector.shape_cast %get3A_106 : vector<16xi32> to vector<16xi32>
        %slice3A = vector.extract_strided_slice %get3A_107 {offsets = [0], sizes = [1], strides = [1]} : vector<16xi32> to vector<1xi32>
        %squeeze3A = vector.extract %slice3A[0] : i32 from vector<1xi32>
        %and3A = arith.constant 7 : i32
        %and3A_108 = arith.andi %squeeze3A, %and3A : i32
        %mul3A_109 = arith.constant 16 : i32
        %mul3A_110 = arith.muli %and3A_108, %mul3A_109 : i32
        %add3A_111 = arith.constant 0 : i32
        %add3A_112 = arith.addi %mul3A_105, %add3A_111 : i32
        %get3A_113 = arith.index_cast %add3A_112 : i32 to index
        %get3A_114 = arith.index_cast %mul3A_110 : i32 to index
        %get3A_115 = tpu.vector_load %arg10[%get3A_113, %get3A_114] {strides = array<i32>} : memref<256x128xf32, #tpu.memory_space<vmem>>, vector<1x16xf32>,
        %get3A_116 = vector.shape_cast %get3A_115 : vector<1x16xf32> to vector<16xf32>
        %slice3A_117 = vector.extract_strided_slice %get3A_107 {offsets = [1], sizes = [1], strides = [1]} : vector<16xi32> to vector<1xi32>
        %squeeze3A_118 = vector.extract %slice3A_117[0] : i32 from vector<1xi32>
        %and3A_119 = arith.constant 7 : i32
        %and3A_120 = arith.andi %squeeze3A_118, %and3A_119 : i32
        %mul3A_121 = arith.constant 16 : i32
        %mul3A_122 = arith.muli %and3A_120, %mul3A_121 : i32
        %add3A_123 = arith.constant 1 : i32
        %add3A_124 = arith.addi %mul3A_105, %add3A_123 : i32
        %get3A_125 = arith.index_cast %add3A_124 : i32 to index
        %get3A_126 = arith.index_cast %mul3A_122 : i32 to index
        %get3A_127 = tpu.vector_load %arg10[%get3A_125, %get3A_126] {strides = array<i32>} : memref<256x128xf32, #tpu.memory_space<vmem>>, vector<1x16xf32>,
        %get3A_128 = vector.shape_cast %get3A_127 : vector<1x16xf32> to vector<16xf32>
        %slice3A_129 = vector.extract_strided_slice %get3A_107 {offsets = [2], sizes = [1], strides = [1]} : vector<16xi32> to vector<1xi32>
        %squeeze3A_130 = vector.extract %slice3A_129[0] : i32 from vector<1xi32>
        %and3A_131 = arith.constant 7 : i32
        %and3A_132 = arith.andi %squeeze3A_130, %and3A_131 : i32
        %mul3A_133 = arith.constant 16 : i32
        %mul3A_134 = arith.muli %and3A_132, %mul3A_133 : i32
        %add3A_135 = arith.constant 2 : i32
        %add3A_136 = arith.addi %mul3A_105, %add3A_135 : i32
        %get3A_137 = arith.index_cast %add3A_136 : i32 to index
        %get3A_138 = arith.index_cast %mul3A_134 : i32 to index
        %get3A_139 = tpu.vector_load %arg10[%get3A_137, %get3A_138] {strides = array<i32>} : memref<256x128xf32, #tpu.memory_space<vmem>>, vector<1x16xf32>,
        %get3A_140 = vector.shape_cast %get3A_139 : vector<1x16xf32> to vector<16xf32>
        %slice3A_141 = vector.extract_strided_slice %get3A_107 {offsets = [3], sizes = [1], strides = [1]} : vector<16xi32> to vector<1xi32>
        %squeeze3A_142 = vector.extract %slice3A_141[0] : i32 from vector<1xi32>
        %and3A_143 = arith.constant 7 : i32
        %and3A_144 = arith.andi %squeeze3A_142, %and3A_143 : i32
        %mul3A_145 = arith.constant 16 : i32
        %mul3A_146 = arith.muli %and3A_144, %mul3A_145 : i32
        %add3A_147 = arith.constant 3 : i32
        %add3A_148 = arith.addi %mul3A_105, %add3A_147 : i32
        %get3A_149 = arith.index_cast %add3A_148 : i32 to index
        %get3A_150 = arith.index_cast %mul3A_146 : i32 to index
        %get3A_151 = tpu.vector_load %arg10[%get3A_149, %get3A_150] {strides = array<i32>} : memref<256x128xf32, #tpu.memory_space<vmem>>, vector<1x16xf32>,
        %get3A_152 = vector.shape_cast %get3A_151 : vector<1x16xf32> to vector<16xf32>
        %slice3A_153 = vector.extract_strided_slice %get3A_107 {offsets = [4], sizes = [1], strides = [1]} : vector<16xi32> to vector<1xi32>
        %squeeze3A_154 = vector.extract %slice3A_153[0] : i32 from vector<1xi32>
        %and3A_155 = arith.constant 7 : i32
        %and3A_156 = arith.andi %squeeze3A_154, %and3A_155 : i32
        %mul3A_157 = arith.constant 16 : i32
        %mul3A_158 = arith.muli %and3A_156, %mul3A_157 : i32
        %add3A_159 = arith.constant 4 : i32
        %add3A_160 = arith.addi %mul3A_105, %add3A_159 : i32
        %get3A_161 = arith.index_cast %add3A_160 : i32 to index
        %get3A_162 = arith.index_cast %mul3A_158 : i32 to index
        %get3A_163 = tpu.vector_load %arg10[%get3A_161, %get3A_162] {strides = array<i32>} : memref<256x128xf32, #tpu.memory_space<vmem>>, vector<1x16xf32>,
        %get3A_164 = vector.shape_cast %get3A_163 : vector<1x16xf32> to vector<16xf32>
        %slice3A_165 = vector.extract_strided_slice %get3A_107 {offsets = [5], sizes = [1], strides = [1]} : vector<16xi32> to vector<1xi32>
        %squeeze3A_166 = vector.extract %slice3A_165[0] : i32 from vector<1xi32>
        %and3A_167 = arith.constant 7 : i32
        %and3A_168 = arith.andi %squeeze3A_166, %and3A_167 : i32
        %mul3A_169 = arith.constant 16 : i32
        %mul3A_170 = arith.muli %and3A_168, %mul3A_169 : i32
        %add3A_171 = arith.constant 5 : i32
        %add3A_172 = arith.addi %mul3A_105, %add3A_171 : i32
        %get3A_173 = arith.index_cast %add3A_172 : i32 to index
        %get3A_174 = arith.index_cast %mul3A_170 : i32 to index
        %get3A_175 = tpu.vector_load %arg10[%get3A_173, %get3A_174] {strides = array<i32>} : memref<256x128xf32, #tpu.memory_space<vmem>>, vector<1x16xf32>,
        %get3A_176 = vector.shape_cast %get3A_175 : vector<1x16xf32> to vector<16xf32>
        %slice3A_177 = vector.extract_strided_slice %get3A_107 {offsets = [6], sizes = [1], strides = [1]} : vector<16xi32> to vector<1xi32>
        %squeeze3A_178 = vector.extract %slice3A_177[0] : i32 from vector<1xi32>
        %and3A_179 = arith.constant 7 : i32
        %and3A_180 = arith.andi %squeeze3A_178, %and3A_179 : i32
        %mul3A_181 = arith.constant 16 : i32
        %mul3A_182 = arith.muli %and3A_180, %mul3A_181 : i32
        %add3A_183 = arith.constant 6 : i32
        %add3A_184 = arith.addi %mul3A_105, %add3A_183 : i32
        %get3A_185 = arith.index_cast %add3A_184 : i32 to index
        %get3A_186 = arith.index_cast %mul3A_182 : i32 to index
        %get3A_187 = tpu.vector_load %arg10[%get3A_185, %get3A_186] {strides = array<i32>} : memref<256x128xf32, #tpu.memory_space<vmem>>, vector<1x16xf32>,
        %get3A_188 = vector.shape_cast %get3A_187 : vector<1x16xf32> to vector<16xf32>
        %slice3A_189 = vector.extract_strided_slice %get3A_107 {offsets = [7], sizes = [1], strides = [1]} : vector<16xi32> to vector<1xi32>
        %squeeze3A_190 = vector.extract %slice3A_189[0] : i32 from vector<1xi32>
        %and3A_191 = arith.constant 7 : i32
        %and3A_192 = arith.andi %squeeze3A_190, %and3A_191 : i32
        %mul3A_193 = arith.constant 16 : i32
        %mul3A_194 = arith.muli %and3A_192, %mul3A_193 : i32
        %add3A_195 = arith.constant 7 : i32
        %add3A_196 = arith.addi %mul3A_105, %add3A_195 : i32
        %get3A_197 = arith.index_cast %add3A_196 : i32 to index
        %get3A_198 = arith.index_cast %mul3A_194 : i32 to index
        %get3A_199 = tpu.vector_load %arg10[%get3A_197, %get3A_198] {strides = array<i32>} : memref<256x128xf32, #tpu.memory_space<vmem>>, vector<1x16xf32>,
        %get3A_200 = vector.shape_cast %get3A_199 : vector<1x16xf32> to vector<16xf32>
        %slice3A_201 = vector.extract_strided_slice %get3A_107 {offsets = [8], sizes = [1], strides = [1]} : vector<16xi32> to vector<1xi32>
        %squeeze3A_202 = vector.extract %slice3A_201[0] : i32 from vector<1xi32>
        %and3A_203 = arith.constant 7 : i32
        %and3A_204 = arith.andi %squeeze3A_202, %and3A_203 : i32
        %mul3A_205 = arith.constant 16 : i32
        %mul3A_206 = arith.muli %and3A_204, %mul3A_205 : i32
        %add3A_207 = arith.constant 8 : i32
        %add3A_208 = arith.addi %mul3A_105, %add3A_207 : i32
        %get3A_209 = arith.index_cast %add3A_208 : i32 to index
        %get3A_210 = arith.index_cast %mul3A_206 : i32 to index
        %get3A_211 = tpu.vector_load %arg10[%get3A_209, %get3A_210] {strides = array<i32>} : memref<256x128xf32, #tpu.memory_space<vmem>>, vector<1x16xf32>,
        %get3A_212 = vector.shape_cast %get3A_211 : vector<1x16xf32> to vector<16xf32>
        %slice3A_213 = vector.extract_strided_slice %get3A_107 {offsets = [9], sizes = [1], strides = [1]} : vector<16xi32> to vector<1xi32>
        %squeeze3A_214 = vector.extract %slice3A_213[0] : i32 from vector<1xi32>
        %and3A_215 = arith.constant 7 : i32
        %and3A_216 = arith.andi %squeeze3A_214, %and3A_215 : i32
        %mul3A_217 = arith.constant 16 : i32
        %mul3A_218 = arith.muli %and3A_216, %mul3A_217 : i32
        %add3A_219 = arith.constant 9 : i32
        %add3A_220 = arith.addi %mul3A_105, %add3A_219 : i32
        %get3A_221 = arith.index_cast %add3A_220 : i32 to index
        %get3A_222 = arith.index_cast %mul3A_218 : i32 to index
        %get3A_223 = tpu.vector_load %arg10[%get3A_221, %get3A_222] {strides = array<i32>} : memref<256x128xf32, #tpu.memory_space<vmem>>, vector<1x16xf32>,
        %get3A_224 = vector.shape_cast %get3A_223 : vector<1x16xf32> to vector<16xf32>
        %slice3A_225 = vector.extract_strided_slice %get3A_107 {offsets = [10], sizes = [1], strides = [1]} : vector<16xi32> to vector<1xi32>
        %squeeze3A_226 = vector.extract %slice3A_225[0] : i32 from vector<1xi32>
        %and3A_227 = arith.constant 7 : i32
        %and3A_228 = arith.andi %squeeze3A_226, %and3A_227 : i32
        %mul3A_229 = arith.constant 16 : i32
        %mul3A_230 = arith.muli %and3A_228, %mul3A_229 : i32
        %add3A_231 = arith.constant 10 : i32
        %add3A_232 = arith.addi %mul3A_105, %add3A_231 : i32
        %get3A_233 = arith.index_cast %add3A_232 : i32 to index
        %get3A_234 = arith.index_cast %mul3A_230 : i32 to index
        %get3A_235 = tpu.vector_load %arg10[%get3A_233, %get3A_234] {strides = array<i32>} : memref<256x128xf32, #tpu.memory_space<vmem>>, vector<1x16xf32>,
        %get3A_236 = vector.shape_cast %get3A_235 : vector<1x16xf32> to vector<16xf32>
        %slice3A_237 = vector.extract_strided_slice %get3A_107 {offsets = [11], sizes = [1], strides = [1]} : vector<16xi32> to vector<1xi32>
        %squeeze3A_238 = vector.extract %slice3A_237[0] : i32 from vector<1xi32>
        %and3A_239 = arith.constant 7 : i32
        %and3A_240 = arith.andi %squeeze3A_238, %and3A_239 : i32
        %mul3A_241 = arith.constant 16 : i32
        %mul3A_242 = arith.muli %and3A_240, %mul3A_241 : i32
        %add3A_243 = arith.constant 11 : i32
        %add3A_244 = arith.addi %mul3A_105, %add3A_243 : i32
        %get3A_245 = arith.index_cast %add3A_244 : i32 to index
        %get3A_246 = arith.index_cast %mul3A_242 : i32 to index
        %get3A_247 = tpu.vector_load %arg10[%get3A_245, %get3A_246] {strides = array<i32>} : memref<256x128xf32, #tpu.memory_space<vmem>>, vector<1x16xf32>,
        %get3A_248 = vector.shape_cast %get3A_247 : vector<1x16xf32> to vector<16xf32>
        %slice3A_249 = vector.extract_strided_slice %get3A_107 {offsets = [12], sizes = [1], strides = [1]} : vector<16xi32> to vector<1xi32>
        %squeeze3A_250 = vector.extract %slice3A_249[0] : i32 from vector<1xi32>
        %and3A_251 = arith.constant 7 : i32
        %and3A_252 = arith.andi %squeeze3A_250, %and3A_251 : i32
        %mul3A_253 = arith.constant 16 : i32
        %mul3A_254 = arith.muli %and3A_252, %mul3A_253 : i32
        %add3A_255 = arith.constant 12 : i32
        %add3A_256 = arith.addi %mul3A_105, %add3A_255 : i32
        %get3A_257 = arith.index_cast %add3A_256 : i32 to index
        %get3A_258 = arith.index_cast %mul3A_254 : i32 to index
        %get3A_259 = tpu.vector_load %arg10[%get3A_257, %get3A_258] {strides = array<i32>} : memref<256x128xf32, #tpu.memory_space<vmem>>, vector<1x16xf32>,
        %get3A_260 = vector.shape_cast %get3A_259 : vector<1x16xf32> to vector<16xf32>
        %slice3A_261 = vector.extract_strided_slice %get3A_107 {offsets = [13], sizes = [1], strides = [1]} : vector<16xi32> to vector<1xi32>
        %squeeze3A_262 = vector.extract %slice3A_261[0] : i32 from vector<1xi32>
        %and3A_263 = arith.constant 7 : i32
        %and3A_264 = arith.andi %squeeze3A_262, %and3A_263 : i32
        %mul3A_265 = arith.constant 16 : i32
        %mul3A_266 = arith.muli %and3A_264, %mul3A_265 : i32
        %add3A_267 = arith.constant 13 : i32
        %add3A_268 = arith.addi %mul3A_105, %add3A_267 : i32
        %get3A_269 = arith.index_cast %add3A_268 : i32 to index
        %get3A_270 = arith.index_cast %mul3A_266 : i32 to index
        %get3A_271 = tpu.vector_load %arg10[%get3A_269, %get3A_270] {strides = array<i32>} : memref<256x128xf32, #tpu.memory_space<vmem>>, vector<1x16xf32>,
        %get3A_272 = vector.shape_cast %get3A_271 : vector<1x16xf32> to vector<16xf32>
        %slice3A_273 = vector.extract_strided_slice %get3A_107 {offsets = [14], sizes = [1], strides = [1]} : vector<16xi32> to vector<1xi32>
        %squeeze3A_274 = vector.extract %slice3A_273[0] : i32 from vector<1xi32>
        %and3A_275 = arith.constant 7 : i32
        %and3A_276 = arith.andi %squeeze3A_274, %and3A_275 : i32
        %mul3A_277 = arith.constant 16 : i32
        %mul3A_278 = arith.muli %and3A_276, %mul3A_277 : i32
        %add3A_279 = arith.constant 14 : i32
        %add3A_280 = arith.addi %mul3A_105, %add3A_279 : i32
        %get3A_281 = arith.index_cast %add3A_280 : i32 to index
        %get3A_282 = arith.index_cast %mul3A_278 : i32 to index
        %get3A_283 = tpu.vector_load %arg10[%get3A_281, %get3A_282] {strides = array<i32>} : memref<256x128xf32, #tpu.memory_space<vmem>>, vector<1x16xf32>,
        %get3A_284 = vector.shape_cast %get3A_283 : vector<1x16xf32> to vector<16xf32>
        %slice3A_285 = vector.extract_strided_slice %get3A_107 {offsets = [15], sizes = [1], strides = [1]} : vector<16xi32> to vector<1xi32>
        %squeeze3A_286 = vector.extract %slice3A_285[0] : i32 from vector<1xi32>
        %and3A_287 = arith.constant 7 : i32
        %and3A_288 = arith.andi %squeeze3A_286, %and3A_287 : i32
        %mul3A_289 = arith.constant 16 : i32
        %mul3A_290 = arith.muli %and3A_288, %mul3A_289 : i32
        %add3A_291 = arith.constant 15 : i32
        %add3A_292 = arith.addi %mul3A_105, %add3A_291 : i32
        %get3A_293 = arith.index_cast %add3A_292 : i32 to index
        %get3A_294 = arith.index_cast %mul3A_290 : i32 to index
        %get3A_295 = tpu.vector_load %arg10[%get3A_293, %get3A_294] {strides = array<i32>} : memref<256x128xf32, #tpu.memory_space<vmem>>, vector<1x16xf32>,
        %get3A_296 = vector.shape_cast %get3A_295 : vector<1x16xf32> to vector<16xf32>
        %xor3A = arith.constant 1 : i32
        %xor3A_297 = vector.broadcast %xor3A : i32 to vector<16xi32>
        %xor3A_298 = arith.xori %iota3A, %xor3A_297 : vector<16xi32>
        %and3A_299 = arith.constant 1 : i32
        %and3A_300 = vector.broadcast %and3A_299 : i32 to vector<16xi32>
        %and3A_301 = arith.andi %iota3A, %and3A_300 : vector<16xi32>
        %eq3A = arith.constant 0 : i32
        %eq3A_302 = vector.broadcast %eq3A : i32 to vector<16xi32>
        %eq3A_303 = arith.cmpi eq, %and3A_301, %eq3A_302 : vector<16xi32>
        %broadcast_in_dim3A = vector.shape_cast %xor3A_298 : vector<16xi32> to vector<16x1xi32>
        %gather3A = vector.shape_cast %broadcast_in_dim3A : vector<16x1xi32> to vector<16xi32>
        %gather3A_304 = tpu.dynamic_gather %get3A_128[%gather3A] in [0] : vector<16xf32>, vector<16xi32> -> vector<16xf32>
        %select_n3A = arith.select %eq3A_303, %get3A_116, %gather3A_304 : vector<16xi1>, vector<16xf32>
        %broadcast_in_dim3A_305 = vector.shape_cast %xor3A_298 : vector<16xi32> to vector<16x1xi32>
        %gather3A_306 = vector.shape_cast %broadcast_in_dim3A_305 : vector<16x1xi32> to vector<16xi32>
        %gather3A_307 = tpu.dynamic_gather %get3A_116[%gather3A_306] in [0] : vector<16xf32>, vector<16xi32> -> vector<16xf32>
        %select_n3A_308 = arith.select %eq3A_303, %gather3A_307, %get3A_128 : vector<16xi1>, vector<16xf32>
        %broadcast_in_dim3A_309 = vector.shape_cast %xor3A_298 : vector<16xi32> to vector<16x1xi32>
        %gather3A_310 = vector.shape_cast %broadcast_in_dim3A_309 : vector<16x1xi32> to vector<16xi32>
        %gather3A_311 = tpu.dynamic_gather %get3A_152[%gather3A_310] in [0] : vector<16xf32>, vector<16xi32> -> vector<16xf32>
        %select_n3A_312 = arith.select %eq3A_303, %get3A_140, %gather3A_311 : vector<16xi1>, vector<16xf32>
        %broadcast_in_dim3A_313 = vector.shape_cast %xor3A_298 : vector<16xi32> to vector<16x1xi32>
        %gather3A_314 = vector.shape_cast %broadcast_in_dim3A_313 : vector<16x1xi32> to vector<16xi32>
        %gather3A_315 = tpu.dynamic_gather %get3A_140[%gather3A_314] in [0] : vector<16xf32>, vector<16xi32> -> vector<16xf32>
        %select_n3A_316 = arith.select %eq3A_303, %gather3A_315, %get3A_152 : vector<16xi1>, vector<16xf32>
        %broadcast_in_dim3A_317 = vector.shape_cast %xor3A_298 : vector<16xi32> to vector<16x1xi32>
        %gather3A_318 = vector.shape_cast %broadcast_in_dim3A_317 : vector<16x1xi32> to vector<16xi32>
        %gather3A_319 = tpu.dynamic_gather %get3A_176[%gather3A_318] in [0] : vector<16xf32>, vector<16xi32> -> vector<16xf32>
        %select_n3A_320 = arith.select %eq3A_303, %get3A_164, %gather3A_319 : vector<16xi1>, vector<16xf32>
        %broadcast_in_dim3A_321 = vector.shape_cast %xor3A_298 : vector<16xi32> to vector<16x1xi32>
        %gather3A_322 = vector.shape_cast %broadcast_in_dim3A_321 : vector<16x1xi32> to vector<16xi32>
        %gather3A_323 = tpu.dynamic_gather %get3A_164[%gather3A_322] in [0] : vector<16xf32>, vector<16xi32> -> vector<16xf32>
        %select_n3A_324 = arith.select %eq3A_303, %gather3A_323, %get3A_176 : vector<16xi1>, vector<16xf32>
        %broadcast_in_dim3A_325 = vector.shape_cast %xor3A_298 : vector<16xi32> to vector<16x1xi32>
        %gather3A_326 = vector.shape_cast %broadcast_in_dim3A_325 : vector<16x1xi32> to vector<16xi32>
        %gather3A_327 = tpu.dynamic_gather %get3A_200[%gather3A_326] in [0] : vector<16xf32>, vector<16xi32> -> vector<16xf32>
        %select_n3A_328 = arith.select %eq3A_303, %get3A_188, %gather3A_327 : vector<16xi1>, vector<16xf32>
        %broadcast_in_dim3A_329 = vector.shape_cast %xor3A_298 : vector<16xi32> to vector<16x1xi32>
        %gather3A_330 = vector.shape_cast %broadcast_in_dim3A_329 : vector<16x1xi32> to vector<16xi32>
        %gather3A_331 = tpu.dynamic_gather %get3A_188[%gather3A_330] in [0] : vector<16xf32>, vector<16xi32> -> vector<16xf32>
        %select_n3A_332 = arith.select %eq3A_303, %gather3A_331, %get3A_200 : vector<16xi1>, vector<16xf32>
        %broadcast_in_dim3A_333 = vector.shape_cast %xor3A_298 : vector<16xi32> to vector<16x1xi32>
        %gather3A_334 = vector.shape_cast %broadcast_in_dim3A_333 : vector<16x1xi32> to vector<16xi32>
        %gather3A_335 = tpu.dynamic_gather %get3A_224[%gather3A_334] in [0] : vector<16xf32>, vector<16xi32> -> vector<16xf32>
        %select_n3A_336 = arith.select %eq3A_303, %get3A_212, %gather3A_335 : vector<16xi1>, vector<16xf32>
        %broadcast_in_dim3A_337 = vector.shape_cast %xor3A_298 : vector<16xi32> to vector<16x1xi32>
        %gather3A_338 = vector.shape_cast %broadcast_in_dim3A_337 : vector<16x1xi32> to vector<16xi32>
        %gather3A_339 = tpu.dynamic_gather %get3A_212[%gather3A_338] in [0] : vector<16xf32>, vector<16xi32> -> vector<16xf32>
        %select_n3A_340 = arith.select %eq3A_303, %gather3A_339, %get3A_224 : vector<16xi1>, vector<16xf32>
        %broadcast_in_dim3A_341 = vector.shape_cast %xor3A_298 : vector<16xi32> to vector<16x1xi32>
        %gather3A_342 = vector.shape_cast %broadcast_in_dim3A_341 : vector<16x1xi32> to vector<16xi32>
        %gather3A_343 = tpu.dynamic_gather %get3A_248[%gather3A_342] in [0] : vector<16xf32>, vector<16xi32> -> vector<16xf32>
        %select_n3A_344 = arith.select %eq3A_303, %get3A_236, %gather3A_343 : vector<16xi1>, vector<16xf32>
        %broadcast_in_dim3A_345 = vector.shape_cast %xor3A_298 : vector<16xi32> to vector<16x1xi32>
        %gather3A_346 = vector.shape_cast %broadcast_in_dim3A_345 : vector<16x1xi32> to vector<16xi32>
        %gather3A_347 = tpu.dynamic_gather %get3A_236[%gather3A_346] in [0] : vector<16xf32>, vector<16xi32> -> vector<16xf32>
        %select_n3A_348 = arith.select %eq3A_303, %gather3A_347, %get3A_248 : vector<16xi1>, vector<16xf32>
        %broadcast_in_dim3A_349 = vector.shape_cast %xor3A_298 : vector<16xi32> to vector<16x1xi32>
        %gather3A_350 = vector.shape_cast %broadcast_in_dim3A_349 : vector<16x1xi32> to vector<16xi32>
        %gather3A_351 = tpu.dynamic_gather %get3A_272[%gather3A_350] in [0] : vector<16xf32>, vector<16xi32> -> vector<16xf32>
        %select_n3A_352 = arith.select %eq3A_303, %get3A_260, %gather3A_351 : vector<16xi1>, vector<16xf32>
        %broadcast_in_dim3A_353 = vector.shape_cast %xor3A_298 : vector<16xi32> to vector<16x1xi32>
        %gather3A_354 = vector.shape_cast %broadcast_in_dim3A_353 : vector<16x1xi32> to vector<16xi32>
        %gather3A_355 = tpu.dynamic_gather %get3A_260[%gather3A_354] in [0] : vector<16xf32>, vector<16xi32> -> vector<16xf32>
        %select_n3A_356 = arith.select %eq3A_303, %gather3A_355, %get3A_272 : vector<16xi1>, vector<16xf32>
        %broadcast_in_dim3A_357 = vector.shape_cast %xor3A_298 : vector<16xi32> to vector<16x1xi32>
        %gather3A_358 = vector.shape_cast %broadcast_in_dim3A_357 : vector<16x1xi32> to vector<16xi32>
        %gather3A_359 = tpu.dynamic_gather %get3A_296[%gather3A_358] in [0] : vector<16xf32>, vector<16xi32> -> vector<16xf32>
        %select_n3A_360 = arith.select %eq3A_303, %get3A_284, %gather3A_359 : vector<16xi1>, vector<16xf32>
        %broadcast_in_dim3A_361 = vector.shape_cast %xor3A_298 : vector<16xi32> to vector<16x1xi32>
        %gather3A_362 = vector.shape_cast %broadcast_in_dim3A_361 : vector<16x1xi32> to vector<16xi32>
        %gather3A_363 = tpu.dynamic_gather %get3A_284[%gather3A_362] in [0] : vector<16xf32>, vector<16xi32> -> vector<16xf32>
        %select_n3A_364 = arith.select %eq3A_303, %gather3A_363, %get3A_296 : vector<16xi1>, vector<16xf32>
        %xor3A_365 = arith.constant 2 : i32
        %xor3A_366 = vector.broadcast %xor3A_365 : i32 to vector<16xi32>
        %xor3A_367 = arith.xori %iota3A, %xor3A_366 : vector<16xi32>
        %and3A_368 = arith.constant 2 : i32
        %and3A_369 = vector.broadcast %and3A_368 : i32 to vector<16xi32>
        %and3A_370 = arith.andi %iota3A, %and3A_369 : vector<16xi32>
        %eq3A_371 = arith.constant 0 : i32
        %eq3A_372 = vector.broadcast %eq3A_371 : i32 to vector<16xi32>
        %eq3A_373 = arith.cmpi eq, %and3A_370, %eq3A_372 : vector<16xi32>
        %broadcast_in_dim3A_374 = vector.shape_cast %xor3A_367 : vector<16xi32> to vector<16x1xi32>
        %gather3A_375 = vector.shape_cast %broadcast_in_dim3A_374 : vector<16x1xi32> to vector<16xi32>
        %gather3A_376 = tpu.dynamic_gather %select_n3A_312[%gather3A_375] in [0] : vector<16xf32>, vector<16xi32> -> vector<16xf32>
        %select_n3A_377 = arith.select %eq3A_373, %select_n3A, %gather3A_376 : vector<16xi1>, vector<16xf32>
        %broadcast_in_dim3A_378 = vector.shape_cast %xor3A_367 : vector<16xi32> to vector<16x1xi32>
        %gather3A_379 = vector.shape_cast %broadcast_in_dim3A_378 : vector<16x1xi32> to vector<16xi32>
        %gather3A_380 = tpu.dynamic_gather %select_n3A[%gather3A_379] in [0] : vector<16xf32>, vector<16xi32> -> vector<16xf32>
        %select_n3A_381 = arith.select %eq3A_373, %gather3A_380, %select_n3A_312 : vector<16xi1>, vector<16xf32>
        %broadcast_in_dim3A_382 = vector.shape_cast %xor3A_367 : vector<16xi32> to vector<16x1xi32>
        %gather3A_383 = vector.shape_cast %broadcast_in_dim3A_382 : vector<16x1xi32> to vector<16xi32>
        %gather3A_384 = tpu.dynamic_gather %select_n3A_316[%gather3A_383] in [0] : vector<16xf32>, vector<16xi32> -> vector<16xf32>
        %select_n3A_385 = arith.select %eq3A_373, %select_n3A_308, %gather3A_384 : vector<16xi1>, vector<16xf32>
        %broadcast_in_dim3A_386 = vector.shape_cast %xor3A_367 : vector<16xi32> to vector<16x1xi32>
        %gather3A_387 = vector.shape_cast %broadcast_in_dim3A_386 : vector<16x1xi32> to vector<16xi32>
        %gather3A_388 = tpu.dynamic_gather %select_n3A_308[%gather3A_387] in [0] : vector<16xf32>, vector<16xi32> -> vector<16xf32>
        %select_n3A_389 = arith.select %eq3A_373, %gather3A_388, %select_n3A_316 : vector<16xi1>, vector<16xf32>
        %broadcast_in_dim3A_390 = vector.shape_cast %xor3A_367 : vector<16xi32> to vector<16x1xi32>
        %gather3A_391 = vector.shape_cast %broadcast_in_dim3A_390 : vector<16x1xi32> to vector<16xi32>
        %gather3A_392 = tpu.dynamic_gather %select_n3A_328[%gather3A_391] in [0] : vector<16xf32>, vector<16xi32> -> vector<16xf32>
        %select_n3A_393 = arith.select %eq3A_373, %select_n3A_320, %gather3A_392 : vector<16xi1>, vector<16xf32>
        %broadcast_in_dim3A_394 = vector.shape_cast %xor3A_367 : vector<16xi32> to vector<16x1xi32>
        %gather3A_395 = vector.shape_cast %broadcast_in_dim3A_394 : vector<16x1xi32> to vector<16xi32>
        %gather3A_396 = tpu.dynamic_gather %select_n3A_320[%gather3A_395] in [0] : vector<16xf32>, vector<16xi32> -> vector<16xf32>
        %select_n3A_397 = arith.select %eq3A_373, %gather3A_396, %select_n3A_328 : vector<16xi1>, vector<16xf32>
        %broadcast_in_dim3A_398 = vector.shape_cast %xor3A_367 : vector<16xi32> to vector<16x1xi32>
        %gather3A_399 = vector.shape_cast %broadcast_in_dim3A_398 : vector<16x1xi32> to vector<16xi32>
        %gather3A_400 = tpu.dynamic_gather %select_n3A_332[%gather3A_399] in [0] : vector<16xf32>, vector<16xi32> -> vector<16xf32>
        %select_n3A_401 = arith.select %eq3A_373, %select_n3A_324, %gather3A_400 : vector<16xi1>, vector<16xf32>
        %broadcast_in_dim3A_402 = vector.shape_cast %xor3A_367 : vector<16xi32> to vector<16x1xi32>
        %gather3A_403 = vector.shape_cast %broadcast_in_dim3A_402 : vector<16x1xi32> to vector<16xi32>
        %gather3A_404 = tpu.dynamic_gather %select_n3A_324[%gather3A_403] in [0] : vector<16xf32>, vector<16xi32> -> vector<16xf32>
        %select_n3A_405 = arith.select %eq3A_373, %gather3A_404, %select_n3A_332 : vector<16xi1>, vector<16xf32>
        %broadcast_in_dim3A_406 = vector.shape_cast %xor3A_367 : vector<16xi32> to vector<16x1xi32>
        %gather3A_407 = vector.shape_cast %broadcast_in_dim3A_406 : vector<16x1xi32> to vector<16xi32>
        %gather3A_408 = tpu.dynamic_gather %select_n3A_344[%gather3A_407] in [0] : vector<16xf32>, vector<16xi32> -> vector<16xf32>
        %select_n3A_409 = arith.select %eq3A_373, %select_n3A_336, %gather3A_408 : vector<16xi1>, vector<16xf32>
        %broadcast_in_dim3A_410 = vector.shape_cast %xor3A_367 : vector<16xi32> to vector<16x1xi32>
        %gather3A_411 = vector.shape_cast %broadcast_in_dim3A_410 : vector<16x1xi32> to vector<16xi32>
        %gather3A_412 = tpu.dynamic_gather %select_n3A_336[%gather3A_411] in [0] : vector<16xf32>, vector<16xi32> -> vector<16xf32>
        %select_n3A_413 = arith.select %eq3A_373, %gather3A_412, %select_n3A_344 : vector<16xi1>, vector<16xf32>
        %broadcast_in_dim3A_414 = vector.shape_cast %xor3A_367 : vector<16xi32> to vector<16x1xi32>
        %gather3A_415 = vector.shape_cast %broadcast_in_dim3A_414 : vector<16x1xi32> to vector<16xi32>
        %gather3A_416 = tpu.dynamic_gather %select_n3A_348[%gather3A_415] in [0] : vector<16xf32>, vector<16xi32> -> vector<16xf32>
        %select_n3A_417 = arith.select %eq3A_373, %select_n3A_340, %gather3A_416 : vector<16xi1>, vector<16xf32>
        %broadcast_in_dim3A_418 = vector.shape_cast %xor3A_367 : vector<16xi32> to vector<16x1xi32>
        %gather3A_419 = vector.shape_cast %broadcast_in_dim3A_418 : vector<16x1xi32> to vector<16xi32>
        %gather3A_420 = tpu.dynamic_gather %select_n3A_340[%gather3A_419] in [0] : vector<16xf32>, vector<16xi32> -> vector<16xf32>
        %select_n3A_421 = arith.select %eq3A_373, %gather3A_420, %select_n3A_348 : vector<16xi1>, vector<16xf32>
        %broadcast_in_dim3A_422 = vector.shape_cast %xor3A_367 : vector<16xi32> to vector<16x1xi32>
        %gather3A_423 = vector.shape_cast %broadcast_in_dim3A_422 : vector<16x1xi32> to vector<16xi32>
        %gather3A_424 = tpu.dynamic_gather %select_n3A_360[%gather3A_423] in [0] : vector<16xf32>, vector<16xi32> -> vector<16xf32>
        %select_n3A_425 = arith.select %eq3A_373, %select_n3A_352, %gather3A_424 : vector<16xi1>, vector<16xf32>
        %broadcast_in_dim3A_426 = vector.shape_cast %xor3A_367 : vector<16xi32> to vector<16x1xi32>
        %gather3A_427 = vector.shape_cast %broadcast_in_dim3A_426 : vector<16x1xi32> to vector<16xi32>
        %gather3A_428 = tpu.dynamic_gather %select_n3A_352[%gather3A_427] in [0] : vector<16xf32>, vector<16xi32> -> vector<16xf32>
        %select_n3A_429 = arith.select %eq3A_373, %gather3A_428, %select_n3A_360 : vector<16xi1>, vector<16xf32>
        %broadcast_in_dim3A_430 = vector.shape_cast %xor3A_367 : vector<16xi32> to vector<16x1xi32>
        %gather3A_431 = vector.shape_cast %broadcast_in_dim3A_430 : vector<16x1xi32> to vector<16xi32>
        %gather3A_432 = tpu.dynamic_gather %select_n3A_364[%gather3A_431] in [0] : vector<16xf32>, vector<16xi32> -> vector<16xf32>
        %select_n3A_433 = arith.select %eq3A_373, %select_n3A_356, %gather3A_432 : vector<16xi1>, vector<16xf32>
        %broadcast_in_dim3A_434 = vector.shape_cast %xor3A_367 : vector<16xi32> to vector<16x1xi32>
        %gather3A_435 = vector.shape_cast %broadcast_in_dim3A_434 : vector<16x1xi32> to vector<16xi32>
        %gather3A_436 = tpu.dynamic_gather %select_n3A_356[%gather3A_435] in [0] : vector<16xf32>, vector<16xi32> -> vector<16xf32>
        %select_n3A_437 = arith.select %eq3A_373, %gather3A_436, %select_n3A_364 : vector<16xi1>, vector<16xf32>
        %xor3A_438 = arith.constant 4 : i32
        %xor3A_439 = vector.broadcast %xor3A_438 : i32 to vector<16xi32>
        %xor3A_440 = arith.xori %iota3A, %xor3A_439 : vector<16xi32>
        %and3A_441 = arith.constant 4 : i32
        %and3A_442 = vector.broadcast %and3A_441 : i32 to vector<16xi32>
        %and3A_443 = arith.andi %iota3A, %and3A_442 : vector<16xi32>
        %eq3A_444 = arith.constant 0 : i32
        %eq3A_445 = vector.broadcast %eq3A_444 : i32 to vector<16xi32>
        %eq3A_446 = arith.cmpi eq, %and3A_443, %eq3A_445 : vector<16xi32>
        %broadcast_in_dim3A_447 = vector.shape_cast %xor3A_440 : vector<16xi32> to vector<16x1xi32>
        %gather3A_448 = vector.shape_cast %broadcast_in_dim3A_447 : vector<16x1xi32> to vector<16xi32>
        %gather3A_449 = tpu.dynamic_gather %select_n3A_393[%gather3A_448] in [0] : vector<16xf32>, vector<16xi32> -> vector<16xf32>
        %select_n3A_450 = arith.select %eq3A_446, %select_n3A_377, %gather3A_449 : vector<16xi1>, vector<16xf32>
        %broadcast_in_dim3A_451 = vector.shape_cast %xor3A_440 : vector<16xi32> to vector<16x1xi32>
        %gather3A_452 = vector.shape_cast %broadcast_in_dim3A_451 : vector<16x1xi32> to vector<16xi32>
        %gather3A_453 = tpu.dynamic_gather %select_n3A_377[%gather3A_452] in [0] : vector<16xf32>, vector<16xi32> -> vector<16xf32>
        %select_n3A_454 = arith.select %eq3A_446, %gather3A_453, %select_n3A_393 : vector<16xi1>, vector<16xf32>
        %broadcast_in_dim3A_455 = vector.shape_cast %xor3A_440 : vector<16xi32> to vector<16x1xi32>
        %gather3A_456 = vector.shape_cast %broadcast_in_dim3A_455 : vector<16x1xi32> to vector<16xi32>
        %gather3A_457 = tpu.dynamic_gather %select_n3A_401[%gather3A_456] in [0] : vector<16xf32>, vector<16xi32> -> vector<16xf32>
        %select_n3A_458 = arith.select %eq3A_446, %select_n3A_385, %gather3A_457 : vector<16xi1>, vector<16xf32>
        %broadcast_in_dim3A_459 = vector.shape_cast %xor3A_440 : vector<16xi32> to vector<16x1xi32>
        %gather3A_460 = vector.shape_cast %broadcast_in_dim3A_459 : vector<16x1xi32> to vector<16xi32>
        %gather3A_461 = tpu.dynamic_gather %select_n3A_385[%gather3A_460] in [0] : vector<16xf32>, vector<16xi32> -> vector<16xf32>
        %select_n3A_462 = arith.select %eq3A_446, %gather3A_461, %select_n3A_401 : vector<16xi1>, vector<16xf32>
        %broadcast_in_dim3A_463 = vector.shape_cast %xor3A_440 : vector<16xi32> to vector<16x1xi32>
        %gather3A_464 = vector.shape_cast %broadcast_in_dim3A_463 : vector<16x1xi32> to vector<16xi32>
        %gather3A_465 = tpu.dynamic_gather %select_n3A_397[%gather3A_464] in [0] : vector<16xf32>, vector<16xi32> -> vector<16xf32>
        %select_n3A_466 = arith.select %eq3A_446, %select_n3A_381, %gather3A_465 : vector<16xi1>, vector<16xf32>
        %broadcast_in_dim3A_467 = vector.shape_cast %xor3A_440 : vector<16xi32> to vector<16x1xi32>
        %gather3A_468 = vector.shape_cast %broadcast_in_dim3A_467 : vector<16x1xi32> to vector<16xi32>
        %gather3A_469 = tpu.dynamic_gather %select_n3A_381[%gather3A_468] in [0] : vector<16xf32>, vector<16xi32> -> vector<16xf32>
        %select_n3A_470 = arith.select %eq3A_446, %gather3A_469, %select_n3A_397 : vector<16xi1>, vector<16xf32>
        %broadcast_in_dim3A_471 = vector.shape_cast %xor3A_440 : vector<16xi32> to vector<16x1xi32>
        %gather3A_472 = vector.shape_cast %broadcast_in_dim3A_471 : vector<16x1xi32> to vector<16xi32>
        %gather3A_473 = tpu.dynamic_gather %select_n3A_405[%gather3A_472] in [0] : vector<16xf32>, vector<16xi32> -> vector<16xf32>
        %select_n3A_474 = arith.select %eq3A_446, %select_n3A_389, %gather3A_473 : vector<16xi1>, vector<16xf32>
        %broadcast_in_dim3A_475 = vector.shape_cast %xor3A_440 : vector<16xi32> to vector<16x1xi32>
        %gather3A_476 = vector.shape_cast %broadcast_in_dim3A_475 : vector<16x1xi32> to vector<16xi32>
        %gather3A_477 = tpu.dynamic_gather %select_n3A_389[%gather3A_476] in [0] : vector<16xf32>, vector<16xi32> -> vector<16xf32>
        %select_n3A_478 = arith.select %eq3A_446, %gather3A_477, %select_n3A_405 : vector<16xi1>, vector<16xf32>
        %broadcast_in_dim3A_479 = vector.shape_cast %xor3A_440 : vector<16xi32> to vector<16x1xi32>
        %gather3A_480 = vector.shape_cast %broadcast_in_dim3A_479 : vector<16x1xi32> to vector<16xi32>
        %gather3A_481 = tpu.dynamic_gather %select_n3A_425[%gather3A_480] in [0] : vector<16xf32>, vector<16xi32> -> vector<16xf32>
        %select_n3A_482 = arith.select %eq3A_446, %select_n3A_409, %gather3A_481 : vector<16xi1>, vector<16xf32>
        %broadcast_in_dim3A_483 = vector.shape_cast %xor3A_440 : vector<16xi32> to vector<16x1xi32>
        %gather3A_484 = vector.shape_cast %broadcast_in_dim3A_483 : vector<16x1xi32> to vector<16xi32>
        %gather3A_485 = tpu.dynamic_gather %select_n3A_409[%gather3A_484] in [0] : vector<16xf32>, vector<16xi32> -> vector<16xf32>
        %select_n3A_486 = arith.select %eq3A_446, %gather3A_485, %select_n3A_425 : vector<16xi1>, vector<16xf32>
        %broadcast_in_dim3A_487 = vector.shape_cast %xor3A_440 : vector<16xi32> to vector<16x1xi32>
        %gather3A_488 = vector.shape_cast %broadcast_in_dim3A_487 : vector<16x1xi32> to vector<16xi32>
        %gather3A_489 = tpu.dynamic_gather %select_n3A_433[%gather3A_488] in [0] : vector<16xf32>, vector<16xi32> -> vector<16xf32>
        %select_n3A_490 = arith.select %eq3A_446, %select_n3A_417, %gather3A_489 : vector<16xi1>, vector<16xf32>
        %broadcast_in_dim3A_491 = vector.shape_cast %xor3A_440 : vector<16xi32> to vector<16x1xi32>
        %gather3A_492 = vector.shape_cast %broadcast_in_dim3A_491 : vector<16x1xi32> to vector<16xi32>
        %gather3A_493 = tpu.dynamic_gather %select_n3A_417[%gather3A_492] in [0] : vector<16xf32>, vector<16xi32> -> vector<16xf32>
        %select_n3A_494 = arith.select %eq3A_446, %gather3A_493, %select_n3A_433 : vector<16xi1>, vector<16xf32>
        %broadcast_in_dim3A_495 = vector.shape_cast %xor3A_440 : vector<16xi32> to vector<16x1xi32>
        %gather3A_496 = vector.shape_cast %broadcast_in_dim3A_495 : vector<16x1xi32> to vector<16xi32>
        %gather3A_497 = tpu.dynamic_gather %select_n3A_429[%gather3A_496] in [0] : vector<16xf32>, vector<16xi32> -> vector<16xf32>
        %select_n3A_498 = arith.select %eq3A_446, %select_n3A_413, %gather3A_497 : vector<16xi1>, vector<16xf32>
        %broadcast_in_dim3A_499 = vector.shape_cast %xor3A_440 : vector<16xi32> to vector<16x1xi32>
        %gather3A_500 = vector.shape_cast %broadcast_in_dim3A_499 : vector<16x1xi32> to vector<16xi32>
        %gather3A_501 = tpu.dynamic_gather %select_n3A_413[%gather3A_500] in [0] : vector<16xf32>, vector<16xi32> -> vector<16xf32>
        %select_n3A_502 = arith.select %eq3A_446, %gather3A_501, %select_n3A_429 : vector<16xi1>, vector<16xf32>
        %broadcast_in_dim3A_503 = vector.shape_cast %xor3A_440 : vector<16xi32> to vector<16x1xi32>
        %gather3A_504 = vector.shape_cast %broadcast_in_dim3A_503 : vector<16x1xi32> to vector<16xi32>
        %gather3A_505 = tpu.dynamic_gather %select_n3A_437[%gather3A_504] in [0] : vector<16xf32>, vector<16xi32> -> vector<16xf32>
        %select_n3A_506 = arith.select %eq3A_446, %select_n3A_421, %gather3A_505 : vector<16xi1>, vector<16xf32>
        %broadcast_in_dim3A_507 = vector.shape_cast %xor3A_440 : vector<16xi32> to vector<16x1xi32>
        %gather3A_508 = vector.shape_cast %broadcast_in_dim3A_507 : vector<16x1xi32> to vector<16xi32>
        %gather3A_509 = tpu.dynamic_gather %select_n3A_421[%gather3A_508] in [0] : vector<16xf32>, vector<16xi32> -> vector<16xf32>
        %select_n3A_510 = arith.select %eq3A_446, %gather3A_509, %select_n3A_437 : vector<16xi1>, vector<16xf32>
        %xor3A_511 = arith.constant 8 : i32
        %xor3A_512 = vector.broadcast %xor3A_511 : i32 to vector<16xi32>
        %xor3A_513 = arith.xori %iota3A, %xor3A_512 : vector<16xi32>
        %and3A_514 = arith.constant 8 : i32
        %and3A_515 = vector.broadcast %and3A_514 : i32 to vector<16xi32>
        %and3A_516 = arith.andi %iota3A, %and3A_515 : vector<16xi32>
        %eq3A_517 = arith.constant 0 : i32
        %eq3A_518 = vector.broadcast %eq3A_517 : i32 to vector<16xi32>
        %eq3A_519 = arith.cmpi eq, %and3A_516, %eq3A_518 : vector<16xi32>
        %broadcast_in_dim3A_520 = vector.shape_cast %xor3A_513 : vector<16xi32> to vector<16x1xi32>
        %gather3A_521 = vector.shape_cast %broadcast_in_dim3A_520 : vector<16x1xi32> to vector<16xi32>
        %gather3A_522 = tpu.dynamic_gather %select_n3A_482[%gather3A_521] in [0] : vector<16xf32>, vector<16xi32> -> vector<16xf32>
        %select_n3A_523 = arith.select %eq3A_519, %select_n3A_450, %gather3A_522 : vector<16xi1>, vector<16xf32>
        %broadcast_in_dim3A_524 = vector.shape_cast %xor3A_513 : vector<16xi32> to vector<16x1xi32>
        %gather3A_525 = vector.shape_cast %broadcast_in_dim3A_524 : vector<16x1xi32> to vector<16xi32>
        %gather3A_526 = tpu.dynamic_gather %select_n3A_450[%gather3A_525] in [0] : vector<16xf32>, vector<16xi32> -> vector<16xf32>
        %select_n3A_527 = arith.select %eq3A_519, %gather3A_526, %select_n3A_482 : vector<16xi1>, vector<16xf32>
        %broadcast_in_dim3A_528 = vector.shape_cast %xor3A_513 : vector<16xi32> to vector<16x1xi32>
        %gather3A_529 = vector.shape_cast %broadcast_in_dim3A_528 : vector<16x1xi32> to vector<16xi32>
        %gather3A_530 = tpu.dynamic_gather %select_n3A_490[%gather3A_529] in [0] : vector<16xf32>, vector<16xi32> -> vector<16xf32>
        %select_n3A_531 = arith.select %eq3A_519, %select_n3A_458, %gather3A_530 : vector<16xi1>, vector<16xf32>
        %broadcast_in_dim3A_532 = vector.shape_cast %xor3A_513 : vector<16xi32> to vector<16x1xi32>
        %gather3A_533 = vector.shape_cast %broadcast_in_dim3A_532 : vector<16x1xi32> to vector<16xi32>
        %gather3A_534 = tpu.dynamic_gather %select_n3A_458[%gather3A_533] in [0] : vector<16xf32>, vector<16xi32> -> vector<16xf32>
        %select_n3A_535 = arith.select %eq3A_519, %gather3A_534, %select_n3A_490 : vector<16xi1>, vector<16xf32>
        %broadcast_in_dim3A_536 = vector.shape_cast %xor3A_513 : vector<16xi32> to vector<16x1xi32>
        %gather3A_537 = vector.shape_cast %broadcast_in_dim3A_536 : vector<16x1xi32> to vector<16xi32>
        %gather3A_538 = tpu.dynamic_gather %select_n3A_498[%gather3A_537] in [0] : vector<16xf32>, vector<16xi32> -> vector<16xf32>
        %select_n3A_539 = arith.select %eq3A_519, %select_n3A_466, %gather3A_538 : vector<16xi1>, vector<16xf32>
        %broadcast_in_dim3A_540 = vector.shape_cast %xor3A_513 : vector<16xi32> to vector<16x1xi32>
        %gather3A_541 = vector.shape_cast %broadcast_in_dim3A_540 : vector<16x1xi32> to vector<16xi32>
        %gather3A_542 = tpu.dynamic_gather %select_n3A_466[%gather3A_541] in [0] : vector<16xf32>, vector<16xi32> -> vector<16xf32>
        %select_n3A_543 = arith.select %eq3A_519, %gather3A_542, %select_n3A_498 : vector<16xi1>, vector<16xf32>
        %broadcast_in_dim3A_544 = vector.shape_cast %xor3A_513 : vector<16xi32> to vector<16x1xi32>
        %gather3A_545 = vector.shape_cast %broadcast_in_dim3A_544 : vector<16x1xi32> to vector<16xi32>
        %gather3A_546 = tpu.dynamic_gather %select_n3A_506[%gather3A_545] in [0] : vector<16xf32>, vector<16xi32> -> vector<16xf32>
        %select_n3A_547 = arith.select %eq3A_519, %select_n3A_474, %gather3A_546 : vector<16xi1>, vector<16xf32>
        %broadcast_in_dim3A_548 = vector.shape_cast %xor3A_513 : vector<16xi32> to vector<16x1xi32>
        %gather3A_549 = vector.shape_cast %broadcast_in_dim3A_548 : vector<16x1xi32> to vector<16xi32>
        %gather3A_550 = tpu.dynamic_gather %select_n3A_474[%gather3A_549] in [0] : vector<16xf32>, vector<16xi32> -> vector<16xf32>
        %select_n3A_551 = arith.select %eq3A_519, %gather3A_550, %select_n3A_506 : vector<16xi1>, vector<16xf32>
        %broadcast_in_dim3A_552 = vector.shape_cast %xor3A_513 : vector<16xi32> to vector<16x1xi32>
        %gather3A_553 = vector.shape_cast %broadcast_in_dim3A_552 : vector<16x1xi32> to vector<16xi32>
        %gather3A_554 = tpu.dynamic_gather %select_n3A_486[%gather3A_553] in [0] : vector<16xf32>, vector<16xi32> -> vector<16xf32>
        %select_n3A_555 = arith.select %eq3A_519, %select_n3A_454, %gather3A_554 : vector<16xi1>, vector<16xf32>
        %broadcast_in_dim3A_556 = vector.shape_cast %xor3A_513 : vector<16xi32> to vector<16x1xi32>
        %gather3A_557 = vector.shape_cast %broadcast_in_dim3A_556 : vector<16x1xi32> to vector<16xi32>
        %gather3A_558 = tpu.dynamic_gather %select_n3A_454[%gather3A_557] in [0] : vector<16xf32>, vector<16xi32> -> vector<16xf32>
        %select_n3A_559 = arith.select %eq3A_519, %gather3A_558, %select_n3A_486 : vector<16xi1>, vector<16xf32>
        %broadcast_in_dim3A_560 = vector.shape_cast %xor3A_513 : vector<16xi32> to vector<16x1xi32>
        %gather3A_561 = vector.shape_cast %broadcast_in_dim3A_560 : vector<16x1xi32> to vector<16xi32>
        %gather3A_562 = tpu.dynamic_gather %select_n3A_494[%gather3A_561] in [0] : vector<16xf32>, vector<16xi32> -> vector<16xf32>
        %select_n3A_563 = arith.select %eq3A_519, %select_n3A_462, %gather3A_562 : vector<16xi1>, vector<16xf32>
        %broadcast_in_dim3A_564 = vector.shape_cast %xor3A_513 : vector<16xi32> to vector<16x1xi32>
        %gather3A_565 = vector.shape_cast %broadcast_in_dim3A_564 : vector<16x1xi32> to vector<16xi32>
        %gather3A_566 = tpu.dynamic_gather %select_n3A_462[%gather3A_565] in [0] : vector<16xf32>, vector<16xi32> -> vector<16xf32>
        %select_n3A_567 = arith.select %eq3A_519, %gather3A_566, %select_n3A_494 : vector<16xi1>, vector<16xf32>
        %broadcast_in_dim3A_568 = vector.shape_cast %xor3A_513 : vector<16xi32> to vector<16x1xi32>
        %gather3A_569 = vector.shape_cast %broadcast_in_dim3A_568 : vector<16x1xi32> to vector<16xi32>
        %gather3A_570 = tpu.dynamic_gather %select_n3A_502[%gather3A_569] in [0] : vector<16xf32>, vector<16xi32> -> vector<16xf32>
        %select_n3A_571 = arith.select %eq3A_519, %select_n3A_470, %gather3A_570 : vector<16xi1>, vector<16xf32>
        %broadcast_in_dim3A_572 = vector.shape_cast %xor3A_513 : vector<16xi32> to vector<16x1xi32>
        %gather3A_573 = vector.shape_cast %broadcast_in_dim3A_572 : vector<16x1xi32> to vector<16xi32>
        %gather3A_574 = tpu.dynamic_gather %select_n3A_470[%gather3A_573] in [0] : vector<16xf32>, vector<16xi32> -> vector<16xf32>
        %select_n3A_575 = arith.select %eq3A_519, %gather3A_574, %select_n3A_502 : vector<16xi1>, vector<16xf32>
        %broadcast_in_dim3A_576 = vector.shape_cast %xor3A_513 : vector<16xi32> to vector<16x1xi32>
        %gather3A_577 = vector.shape_cast %broadcast_in_dim3A_576 : vector<16x1xi32> to vector<16xi32>
        %gather3A_578 = tpu.dynamic_gather %select_n3A_510[%gather3A_577] in [0] : vector<16xf32>, vector<16xi32> -> vector<16xf32>
        %select_n3A_579 = arith.select %eq3A_519, %select_n3A_478, %gather3A_578 : vector<16xi1>, vector<16xf32>
        %broadcast_in_dim3A_580 = vector.shape_cast %xor3A_513 : vector<16xi32> to vector<16x1xi32>
        %gather3A_581 = vector.shape_cast %broadcast_in_dim3A_580 : vector<16x1xi32> to vector<16xi32>
        %gather3A_582 = tpu.dynamic_gather %select_n3A_478[%gather3A_581] in [0] : vector<16xf32>, vector<16xi32> -> vector<16xf32>
        %select_n3A_583 = arith.select %eq3A_519, %gather3A_582, %select_n3A_510 : vector<16xi1>, vector<16xf32>
        %eq3A_584 = arith.constant 0 : i32
        %eq3A_585 = vector.broadcast %eq3A_584 : i32 to vector<16xi32>
        %eq3A_586 = arith.cmpi eq, %get3A_107, %eq3A_585 : vector<16xi32>
        %broadcast_in_dim3A_587 = arith.constant 0.000000e+00 : f32
        %broadcast_in_dim3A_588 = vector.broadcast %broadcast_in_dim3A_587 : f32 to vector<16xf32>
        %select_n3A_589 = arith.select %eq3A_586, %broadcast_in_dim3A_588, %select_n3A_523 : vector<16xi1>, vector<16xf32>
        %add3A_590 = arith.constant 256 : i32
        %add3A_591 = arith.addi %add3A_590, %mul3A_105 : i32
        %swap3A = arith.constant 0 : i32
        %swap3A_592 = arith.index_cast %swap3A : i32 to index
        %swap3A_593 = arith.index_cast %add3A_591 : i32 to index
        %swap3A_594 = tpu.vector_load %arg11[%swap3A_592, %swap3A_593] {strides = array<i32>} : memref<16x512xf32, #tpu.memory_space<vmem>>, vector<1x16xf32>,
        %swap3A_595 = vector.shape_cast %swap3A_594 : vector<1x16xf32> to vector<16xf32>
        %swap3A_596 = vector.shape_cast %select_n3A_589 : vector<16xf32> to vector<1x16xf32>
        tpu.vector_store %arg11[%swap3A_592, %swap3A_593], %swap3A_596 {strides = array<i32>} : memref<16x512xf32, #tpu.memory_space<vmem>>, vector<1x16xf32>,
        %select_n3A_597 = arith.select %eq3A_586, %broadcast_in_dim3A_588, %select_n3A_531 : vector<16xi1>, vector<16xf32>
        %add3A_598 = arith.constant 256 : i32
        %add3A_599 = arith.addi %add3A_598, %mul3A_105 : i32
        %swap3A_600 = arith.constant 1 : i32
        %swap3A_601 = arith.index_cast %swap3A_600 : i32 to index
        %swap3A_602 = arith.index_cast %add3A_599 : i32 to index
        %swap3A_603 = tpu.vector_load %arg11[%swap3A_601, %swap3A_602] {strides = array<i32>} : memref<16x512xf32, #tpu.memory_space<vmem>>, vector<1x16xf32>,
        %swap3A_604 = vector.shape_cast %swap3A_603 : vector<1x16xf32> to vector<16xf32>
        %swap3A_605 = vector.shape_cast %select_n3A_597 : vector<16xf32> to vector<1x16xf32>
        tpu.vector_store %arg11[%swap3A_601, %swap3A_602], %swap3A_605 {strides = array<i32>} : memref<16x512xf32, #tpu.memory_space<vmem>>, vector<1x16xf32>,
        %select_n3A_606 = arith.select %eq3A_586, %broadcast_in_dim3A_588, %select_n3A_539 : vector<16xi1>, vector<16xf32>
        %add3A_607 = arith.constant 256 : i32
        %add3A_608 = arith.addi %add3A_607, %mul3A_105 : i32
        %swap3A_609 = arith.constant 2 : i32
        %swap3A_610 = arith.index_cast %swap3A_609 : i32 to index
        %swap3A_611 = arith.index_cast %add3A_608 : i32 to index
        %swap3A_612 = tpu.vector_load %arg11[%swap3A_610, %swap3A_611] {strides = array<i32>} : memref<16x512xf32, #tpu.memory_space<vmem>>, vector<1x16xf32>,
        %swap3A_613 = vector.shape_cast %swap3A_612 : vector<1x16xf32> to vector<16xf32>
        %swap3A_614 = vector.shape_cast %select_n3A_606 : vector<16xf32> to vector<1x16xf32>
        tpu.vector_store %arg11[%swap3A_610, %swap3A_611], %swap3A_614 {strides = array<i32>} : memref<16x512xf32, #tpu.memory_space<vmem>>, vector<1x16xf32>,
        %select_n3A_615 = arith.select %eq3A_586, %broadcast_in_dim3A_588, %select_n3A_547 : vector<16xi1>, vector<16xf32>
        %add3A_616 = arith.constant 256 : i32
        %add3A_617 = arith.addi %add3A_616, %mul3A_105 : i32
        %swap3A_618 = arith.constant 3 : i32
        %swap3A_619 = arith.index_cast %swap3A_618 : i32 to index
        %swap3A_620 = arith.index_cast %add3A_617 : i32 to index
        %swap3A_621 = tpu.vector_load %arg11[%swap3A_619, %swap3A_620] {strides = array<i32>} : memref<16x512xf32, #tpu.memory_space<vmem>>, vector<1x16xf32>,
        %swap3A_622 = vector.shape_cast %swap3A_621 : vector<1x16xf32> to vector<16xf32>
        %swap3A_623 = vector.shape_cast %select_n3A_615 : vector<16xf32> to vector<1x16xf32>
        tpu.vector_store %arg11[%swap3A_619, %swap3A_620], %swap3A_623 {strides = array<i32>} : memref<16x512xf32, #tpu.memory_space<vmem>>, vector<1x16xf32>,
        %select_n3A_624 = arith.select %eq3A_586, %broadcast_in_dim3A_588, %select_n3A_555 : vector<16xi1>, vector<16xf32>
        %add3A_625 = arith.constant 256 : i32
        %add3A_626 = arith.addi %add3A_625, %mul3A_105 : i32
        %swap3A_627 = arith.constant 4 : i32
        %swap3A_628 = arith.index_cast %swap3A_627 : i32 to index
        %swap3A_629 = arith.index_cast %add3A_626 : i32 to index
        %swap3A_630 = tpu.vector_load %arg11[%swap3A_628, %swap3A_629] {strides = array<i32>} : memref<16x512xf32, #tpu.memory_space<vmem>>, vector<1x16xf32>,
        %swap3A_631 = vector.shape_cast %swap3A_630 : vector<1x16xf32> to vector<16xf32>
        %swap3A_632 = vector.shape_cast %select_n3A_624 : vector<16xf32> to vector<1x16xf32>
        tpu.vector_store %arg11[%swap3A_628, %swap3A_629], %swap3A_632 {strides = array<i32>} : memref<16x512xf32, #tpu.memory_space<vmem>>, vector<1x16xf32>,
        %select_n3A_633 = arith.select %eq3A_586, %broadcast_in_dim3A_588, %select_n3A_563 : vector<16xi1>, vector<16xf32>
        %add3A_634 = arith.constant 256 : i32
        %add3A_635 = arith.addi %add3A_634, %mul3A_105 : i32
        %swap3A_636 = arith.constant 5 : i32
        %swap3A_637 = arith.index_cast %swap3A_636 : i32 to index
        %swap3A_638 = arith.index_cast %add3A_635 : i32 to index
        %swap3A_639 = tpu.vector_load %arg11[%swap3A_637, %swap3A_638] {strides = array<i32>} : memref<16x512xf32, #tpu.memory_space<vmem>>, vector<1x16xf32>,
        %swap3A_640 = vector.shape_cast %swap3A_639 : vector<1x16xf32> to vector<16xf32>
        %swap3A_641 = vector.shape_cast %select_n3A_633 : vector<16xf32> to vector<1x16xf32>
        tpu.vector_store %arg11[%swap3A_637, %swap3A_638], %swap3A_641 {strides = array<i32>} : memref<16x512xf32, #tpu.memory_space<vmem>>, vector<1x16xf32>,
        %select_n3A_642 = arith.select %eq3A_586, %broadcast_in_dim3A_588, %select_n3A_571 : vector<16xi1>, vector<16xf32>
        %add3A_643 = arith.constant 256 : i32
        %add3A_644 = arith.addi %add3A_643, %mul3A_105 : i32
        %swap3A_645 = arith.constant 6 : i32
        %swap3A_646 = arith.index_cast %swap3A_645 : i32 to index
        %swap3A_647 = arith.index_cast %add3A_644 : i32 to index
        %swap3A_648 = tpu.vector_load %arg11[%swap3A_646, %swap3A_647] {strides = array<i32>} : memref<16x512xf32, #tpu.memory_space<vmem>>, vector<1x16xf32>,
        %swap3A_649 = vector.shape_cast %swap3A_648 : vector<1x16xf32> to vector<16xf32>
        %swap3A_650 = vector.shape_cast %select_n3A_642 : vector<16xf32> to vector<1x16xf32>
        tpu.vector_store %arg11[%swap3A_646, %swap3A_647], %swap3A_650 {strides = array<i32>} : memref<16x512xf32, #tpu.memory_space<vmem>>, vector<1x16xf32>,
        %select_n3A_651 = arith.select %eq3A_586, %broadcast_in_dim3A_588, %select_n3A_579 : vector<16xi1>, vector<16xf32>
        %add3A_652 = arith.constant 256 : i32
        %add3A_653 = arith.addi %add3A_652, %mul3A_105 : i32
        %swap3A_654 = arith.constant 7 : i32
        %swap3A_655 = arith.index_cast %swap3A_654 : i32 to index
        %swap3A_656 = arith.index_cast %add3A_653 : i32 to index
        %swap3A_657 = tpu.vector_load %arg11[%swap3A_655, %swap3A_656] {strides = array<i32>} : memref<16x512xf32, #tpu.memory_space<vmem>>, vector<1x16xf32>,
        %swap3A_658 = vector.shape_cast %swap3A_657 : vector<1x16xf32> to vector<16xf32>
        %swap3A_659 = vector.shape_cast %select_n3A_651 : vector<16xf32> to vector<1x16xf32>
        tpu.vector_store %arg11[%swap3A_655, %swap3A_656], %swap3A_659 {strides = array<i32>} : memref<16x512xf32, #tpu.memory_space<vmem>>, vector<1x16xf32>,
        %select_n3A_660 = arith.select %eq3A_586, %broadcast_in_dim3A_588, %select_n3A_527 : vector<16xi1>, vector<16xf32>
        %add3A_661 = arith.constant 256 : i32
        %add3A_662 = arith.addi %add3A_661, %mul3A_105 : i32
        %swap3A_663 = arith.constant 8 : i32
        %swap3A_664 = arith.index_cast %swap3A_663 : i32 to index
        %swap3A_665 = arith.index_cast %add3A_662 : i32 to index
        %swap3A_666 = tpu.vector_load %arg11[%swap3A_664, %swap3A_665] {strides = array<i32>} : memref<16x512xf32, #tpu.memory_space<vmem>>, vector<1x16xf32>,
        %swap3A_667 = vector.shape_cast %swap3A_666 : vector<1x16xf32> to vector<16xf32>
        %swap3A_668 = vector.shape_cast %select_n3A_660 : vector<16xf32> to vector<1x16xf32>
        tpu.vector_store %arg11[%swap3A_664, %swap3A_665], %swap3A_668 {strides = array<i32>} : memref<16x512xf32, #tpu.memory_space<vmem>>, vector<1x16xf32>,
        %select_n3A_669 = arith.select %eq3A_586, %broadcast_in_dim3A_588, %select_n3A_535 : vector<16xi1>, vector<16xf32>
        %add3A_670 = arith.constant 256 : i32
        %add3A_671 = arith.addi %add3A_670, %mul3A_105 : i32
        %swap3A_672 = arith.constant 9 : i32
        %swap3A_673 = arith.index_cast %swap3A_672 : i32 to index
        %swap3A_674 = arith.index_cast %add3A_671 : i32 to index
        %swap3A_675 = tpu.vector_load %arg11[%swap3A_673, %swap3A_674] {strides = array<i32>} : memref<16x512xf32, #tpu.memory_space<vmem>>, vector<1x16xf32>,
        %swap3A_676 = vector.shape_cast %swap3A_675 : vector<1x16xf32> to vector<16xf32>
        %swap3A_677 = vector.shape_cast %select_n3A_669 : vector<16xf32> to vector<1x16xf32>
        tpu.vector_store %arg11[%swap3A_673, %swap3A_674], %swap3A_677 {strides = array<i32>} : memref<16x512xf32, #tpu.memory_space<vmem>>, vector<1x16xf32>,
        %select_n3A_678 = arith.select %eq3A_586, %broadcast_in_dim3A_588, %select_n3A_543 : vector<16xi1>, vector<16xf32>
        %add3A_679 = arith.constant 256 : i32
        %add3A_680 = arith.addi %add3A_679, %mul3A_105 : i32
        %swap3A_681 = arith.constant 10 : i32
        %swap3A_682 = arith.index_cast %swap3A_681 : i32 to index
        %swap3A_683 = arith.index_cast %add3A_680 : i32 to index
        %swap3A_684 = tpu.vector_load %arg11[%swap3A_682, %swap3A_683] {strides = array<i32>} : memref<16x512xf32, #tpu.memory_space<vmem>>, vector<1x16xf32>,
        %swap3A_685 = vector.shape_cast %swap3A_684 : vector<1x16xf32> to vector<16xf32>
        %swap3A_686 = vector.shape_cast %select_n3A_678 : vector<16xf32> to vector<1x16xf32>
        tpu.vector_store %arg11[%swap3A_682, %swap3A_683], %swap3A_686 {strides = array<i32>} : memref<16x512xf32, #tpu.memory_space<vmem>>, vector<1x16xf32>,
        %select_n3A_687 = arith.select %eq3A_586, %broadcast_in_dim3A_588, %select_n3A_551 : vector<16xi1>, vector<16xf32>
        %add3A_688 = arith.constant 256 : i32
        %add3A_689 = arith.addi %add3A_688, %mul3A_105 : i32
        %swap3A_690 = arith.constant 11 : i32
        %swap3A_691 = arith.index_cast %swap3A_690 : i32 to index
        %swap3A_692 = arith.index_cast %add3A_689 : i32 to index
        %swap3A_693 = tpu.vector_load %arg11[%swap3A_691, %swap3A_692] {strides = array<i32>} : memref<16x512xf32, #tpu.memory_space<vmem>>, vector<1x16xf32>,
        %swap3A_694 = vector.shape_cast %swap3A_693 : vector<1x16xf32> to vector<16xf32>
        %swap3A_695 = vector.shape_cast %select_n3A_687 : vector<16xf32> to vector<1x16xf32>
        tpu.vector_store %arg11[%swap3A_691, %swap3A_692], %swap3A_695 {strides = array<i32>} : memref<16x512xf32, #tpu.memory_space<vmem>>, vector<1x16xf32>,
        %select_n3A_696 = arith.select %eq3A_586, %broadcast_in_dim3A_588, %select_n3A_559 : vector<16xi1>, vector<16xf32>
        %add3A_697 = arith.constant 256 : i32
        %add3A_698 = arith.addi %add3A_697, %mul3A_105 : i32
        %swap3A_699 = arith.constant 12 : i32
        %swap3A_700 = arith.index_cast %swap3A_699 : i32 to index
        %swap3A_701 = arith.index_cast %add3A_698 : i32 to index
        %swap3A_702 = tpu.vector_load %arg11[%swap3A_700, %swap3A_701] {strides = array<i32>} : memref<16x512xf32, #tpu.memory_space<vmem>>, vector<1x16xf32>,
        %swap3A_703 = vector.shape_cast %swap3A_702 : vector<1x16xf32> to vector<16xf32>
        %swap3A_704 = vector.shape_cast %select_n3A_696 : vector<16xf32> to vector<1x16xf32>
        tpu.vector_store %arg11[%swap3A_700, %swap3A_701], %swap3A_704 {strides = array<i32>} : memref<16x512xf32, #tpu.memory_space<vmem>>, vector<1x16xf32>,
        %select_n3A_705 = arith.select %eq3A_586, %broadcast_in_dim3A_588, %select_n3A_567 : vector<16xi1>, vector<16xf32>
        %add3A_706 = arith.constant 256 : i32
        %add3A_707 = arith.addi %add3A_706, %mul3A_105 : i32
        %swap3A_708 = arith.constant 13 : i32
        %swap3A_709 = arith.index_cast %swap3A_708 : i32 to index
        %swap3A_710 = arith.index_cast %add3A_707 : i32 to index
        %swap3A_711 = tpu.vector_load %arg11[%swap3A_709, %swap3A_710] {strides = array<i32>} : memref<16x512xf32, #tpu.memory_space<vmem>>, vector<1x16xf32>,
        %swap3A_712 = vector.shape_cast %swap3A_711 : vector<1x16xf32> to vector<16xf32>
        %swap3A_713 = vector.shape_cast %select_n3A_705 : vector<16xf32> to vector<1x16xf32>
        tpu.vector_store %arg11[%swap3A_709, %swap3A_710], %swap3A_713 {strides = array<i32>} : memref<16x512xf32, #tpu.memory_space<vmem>>, vector<1x16xf32>,
        %select_n3A_714 = arith.select %eq3A_586, %broadcast_in_dim3A_588, %select_n3A_575 : vector<16xi1>, vector<16xf32>
        %add3A_715 = arith.constant 256 : i32
        %add3A_716 = arith.addi %add3A_715, %mul3A_105 : i32
        %swap3A_717 = arith.constant 14 : i32
        %swap3A_718 = arith.index_cast %swap3A_717 : i32 to index
        %swap3A_719 = arith.index_cast %add3A_716 : i32 to index
        %swap3A_720 = tpu.vector_load %arg11[%swap3A_718, %swap3A_719] {strides = array<i32>} : memref<16x512xf32, #tpu.memory_space<vmem>>, vector<1x16xf32>,
        %swap3A_721 = vector.shape_cast %swap3A_720 : vector<1x16xf32> to vector<16xf32>
        %swap3A_722 = vector.shape_cast %select_n3A_714 : vector<16xf32> to vector<1x16xf32>
        tpu.vector_store %arg11[%swap3A_718, %swap3A_719], %swap3A_722 {strides = array<i32>} : memref<16x512xf32, #tpu.memory_space<vmem>>, vector<1x16xf32>,
        %select_n3A_723 = arith.select %eq3A_586, %broadcast_in_dim3A_588, %select_n3A_583 : vector<16xi1>, vector<16xf32>
        %add3A_724 = arith.constant 256 : i32
        %add3A_725 = arith.addi %add3A_724, %mul3A_105 : i32
        %swap3A_726 = arith.constant 15 : i32
        %swap3A_727 = arith.index_cast %swap3A_726 : i32 to index
        %swap3A_728 = arith.index_cast %add3A_725 : i32 to index
        %swap3A_729 = tpu.vector_load %arg11[%swap3A_727, %swap3A_728] {strides = array<i32>} : memref<16x512xf32, #tpu.memory_space<vmem>>, vector<1x16xf32>,
        %swap3A_730 = vector.shape_cast %swap3A_729 : vector<1x16xf32> to vector<16xf32>
        %swap3A_731 = vector.shape_cast %select_n3A_723 : vector<16xf32> to vector<1x16xf32>
        tpu.vector_store %arg11[%swap3A_727, %swap3A_728], %swap3A_731 {strides = array<i32>} : memref<16x512xf32, #tpu.memory_space<vmem>>, vector<1x16xf32>,
      }
      %scan3A_102 = arith.constant 16 : i32
      "tpu.region"() ({
        %run_scoped3A_103 = tpu.sem_alloc : memref<!tpu.dma_semaphore, #tpu.memory_space<semaphore_mem>>
        %dma_start3A_104 = arith.constant 0 : i32
        %dma_start3A_105 = tpu.memref_slice %arg4[%scan3A_31, %dma_start3A_104, %mul3A_2] : memref<50x16x16384xf32, #tpu.memory_space<hbm>> -> memref<1x16x512xf32, #tpu.memory_space<hbm>>
        %dma_start3A_106 = tpu.memref_squeeze %dma_start3A_105 : memref<1x16x512xf32, #tpu.memory_space<hbm>> -> memref<16x512xf32, #tpu.memory_space<hbm>>
        %dma_start3A_107 = arith.constant 0 : i32
        %dma_start3A_108 = tpu.memref_slice %arg4[%scan3A_31, %dma_start3A_107, %mul3A_2] : memref<50x16x16384xf32, #tpu.memory_space<hbm>> -> memref<1x16x512xf32, #tpu.memory_space<hbm>>
        %dma_start3A_109 = tpu.memref_squeeze %dma_start3A_108 : memref<1x16x512xf32, #tpu.memory_space<hbm>> -> memref<16x512xf32, #tpu.memory_space<hbm>>
        tpu.enqueue_dma source(%arg11 : memref<16x512xf32, #tpu.memory_space<vmem>>) target(%dma_start3A_109 : memref<16x512xf32, #tpu.memory_space<hbm>>) target_semaphore(%run_scoped3A_103 : memref<!tpu.dma_semaphore, #tpu.memory_space<semaphore_mem>>)
        %dma_wait3A_110 = arith.constant 0 : i32
        %dma_wait3A_111 = tpu.memref_slice %arg4[%scan3A_31, %dma_wait3A_110, %mul3A_2] : memref<50x16x16384xf32, #tpu.memory_space<hbm>> -> memref<1x16x512xf32, #tpu.memory_space<hbm>>
        %dma_wait3A_112 = tpu.memref_squeeze %dma_wait3A_111 : memref<1x16x512xf32, #tpu.memory_space<hbm>> -> memref<16x512xf32, #tpu.memory_space<hbm>>
        %dma_wait3A_113 = arith.constant 0 : i32
        %dma_wait3A_114 = tpu.memref_slice %arg4[%scan3A_31, %dma_wait3A_113, %mul3A_2] : memref<50x16x16384xf32, #tpu.memory_space<hbm>> -> memref<1x16x512xf32, #tpu.memory_space<hbm>>
        %dma_wait3A_115 = tpu.memref_squeeze %dma_wait3A_114 : memref<1x16x512xf32, #tpu.memory_space<hbm>> -> memref<16x512xf32, #tpu.memory_space<hbm>>
        tpu.wait_dma2 semaphore(%run_scoped3A_103 : memref<!tpu.dma_semaphore, #tpu.memory_space<semaphore_mem>>) src(%arg11 : memref<16x512xf32, #tpu.memory_space<vmem>>) dst(%dma_wait3A_115 : memref<16x512xf32, #tpu.memory_space<hbm>>)
        tpu.yield
      }) : () -> ()
    }
    %scan3A_30 = arith.constant 50 : i32
    return
  }
}

module attributes {stable_mosaic.version = 14 : i64} {
  func.func @_repack_body(%arg0: i32, %arg1: memref<16x8192xf32, #tpu.memory_space<vmem>>, %arg2: memref<1024x128xf32, #tpu.memory_space<vmem>>) attributes {dimension_semantics = [#tpu.dimension_semantics<arbitrary>], iteration_bounds = array<i64: 123>, scalar_prefetch = 0 : i64, scratch_operands = 0 : i64, tpu.core_type = #tpu.core_type<tc>, window_params = [{transform_indices = @transform_0, window_bounds = array<i64: 16, 8192>}, {transform_indices = @transform_1, window_bounds = array<i64: 1024, 128>}]} {
    %get3A = arith.constant 0 : index
    %get3A_0 = arith.constant 0 : index
    %get3A_1 = vector.load %arg1[%get3A, %get3A_0] : memref<16x8192xf32, #tpu.memory_space<vmem>>, vector<16x8192xf32>
    %exp3A = math.exp %get3A_1 : vector<16x8192xf32>
    %reduce_sum3A = arith.constant dense<0.000000e+00> : vector<8192xf32>
    %reduce_sum3A_2 = vector.multi_reduction <add>, %exp3A, %reduce_sum3A [0] : vector<16x8192xf32> to vector<8192xf32>
    %broadcast_in_dim3A = vector.shape_cast %reduce_sum3A_2 : vector<8192xf32> to vector<1x8192xf32>
    %div3A = vector.broadcast %broadcast_in_dim3A : vector<1x8192xf32> to vector<16x8192xf32>
    %div3A_3 = arith.divf %exp3A, %div3A : vector<16x8192xf32>
    %transpose3A = tpu.transpose %div3A_3, [1, 0] : vector<16x8192xf32> -> vector<8192x16xf32>
    %reshape3A = vector.shape_cast %transpose3A : vector<8192x16xf32> to vector<1024x8x16xf32>
    %slice3A = vector.extract_strided_slice %reshape3A {offsets = [0, 0, 0], sizes = [1024, 1, 16], strides = [1, 1, 1]} : vector<1024x8x16xf32> to vector<1024x1x16xf32>
    %squeeze3A = vector.shape_cast %slice3A : vector<1024x1x16xf32> to vector<1024x16xf32>
    %swap3A = arith.constant 0 : index
    %swap3A_4 = arith.constant 0 : index
    %swap3A_5 = vector.load %arg2[%swap3A, %swap3A_4] : memref<1024x128xf32, #tpu.memory_space<vmem>>, vector<1024x16xf32>
    tpu.vector_store %arg2[%swap3A, %swap3A_4], %squeeze3A {strides = array<i32>} : memref<1024x128xf32, #tpu.memory_space<vmem>>, vector<1024x16xf32>,
    %slice3A_6 = vector.extract_strided_slice %reshape3A {offsets = [0, 1, 0], sizes = [1024, 1, 16], strides = [1, 1, 1]} : vector<1024x8x16xf32> to vector<1024x1x16xf32>
    %squeeze3A_7 = vector.shape_cast %slice3A_6 : vector<1024x1x16xf32> to vector<1024x16xf32>
    %swap3A_8 = arith.constant 0 : index
    %swap3A_9 = arith.constant 16 : index
    %swap3A_10 = vector.load %arg2[%swap3A_8, %swap3A_9] : memref<1024x128xf32, #tpu.memory_space<vmem>>, vector<1024x16xf32>
    tpu.vector_store %arg2[%swap3A_8, %swap3A_9], %squeeze3A_7 {strides = array<i32>} : memref<1024x128xf32, #tpu.memory_space<vmem>>, vector<1024x16xf32>,
    %slice3A_11 = vector.extract_strided_slice %reshape3A {offsets = [0, 2, 0], sizes = [1024, 1, 16], strides = [1, 1, 1]} : vector<1024x8x16xf32> to vector<1024x1x16xf32>
    %squeeze3A_12 = vector.shape_cast %slice3A_11 : vector<1024x1x16xf32> to vector<1024x16xf32>
    %swap3A_13 = arith.constant 0 : index
    %swap3A_14 = arith.constant 32 : index
    %swap3A_15 = vector.load %arg2[%swap3A_13, %swap3A_14] : memref<1024x128xf32, #tpu.memory_space<vmem>>, vector<1024x16xf32>
    tpu.vector_store %arg2[%swap3A_13, %swap3A_14], %squeeze3A_12 {strides = array<i32>} : memref<1024x128xf32, #tpu.memory_space<vmem>>, vector<1024x16xf32>,
    %slice3A_16 = vector.extract_strided_slice %reshape3A {offsets = [0, 3, 0], sizes = [1024, 1, 16], strides = [1, 1, 1]} : vector<1024x8x16xf32> to vector<1024x1x16xf32>
    %squeeze3A_17 = vector.shape_cast %slice3A_16 : vector<1024x1x16xf32> to vector<1024x16xf32>
    %swap3A_18 = arith.constant 0 : index
    %swap3A_19 = arith.constant 48 : index
    %swap3A_20 = vector.load %arg2[%swap3A_18, %swap3A_19] : memref<1024x128xf32, #tpu.memory_space<vmem>>, vector<1024x16xf32>
    tpu.vector_store %arg2[%swap3A_18, %swap3A_19], %squeeze3A_17 {strides = array<i32>} : memref<1024x128xf32, #tpu.memory_space<vmem>>, vector<1024x16xf32>,
    %slice3A_21 = vector.extract_strided_slice %reshape3A {offsets = [0, 4, 0], sizes = [1024, 1, 16], strides = [1, 1, 1]} : vector<1024x8x16xf32> to vector<1024x1x16xf32>
    %squeeze3A_22 = vector.shape_cast %slice3A_21 : vector<1024x1x16xf32> to vector<1024x16xf32>
    %swap3A_23 = arith.constant 0 : index
    %swap3A_24 = arith.constant 64 : index
    %swap3A_25 = vector.load %arg2[%swap3A_23, %swap3A_24] : memref<1024x128xf32, #tpu.memory_space<vmem>>, vector<1024x16xf32>
    tpu.vector_store %arg2[%swap3A_23, %swap3A_24], %squeeze3A_22 {strides = array<i32>} : memref<1024x128xf32, #tpu.memory_space<vmem>>, vector<1024x16xf32>,
    %slice3A_26 = vector.extract_strided_slice %reshape3A {offsets = [0, 5, 0], sizes = [1024, 1, 16], strides = [1, 1, 1]} : vector<1024x8x16xf32> to vector<1024x1x16xf32>
    %squeeze3A_27 = vector.shape_cast %slice3A_26 : vector<1024x1x16xf32> to vector<1024x16xf32>
    %swap3A_28 = arith.constant 0 : index
    %swap3A_29 = arith.constant 80 : index
    %swap3A_30 = vector.load %arg2[%swap3A_28, %swap3A_29] : memref<1024x128xf32, #tpu.memory_space<vmem>>, vector<1024x16xf32>
    tpu.vector_store %arg2[%swap3A_28, %swap3A_29], %squeeze3A_27 {strides = array<i32>} : memref<1024x128xf32, #tpu.memory_space<vmem>>, vector<1024x16xf32>,
    %slice3A_31 = vector.extract_strided_slice %reshape3A {offsets = [0, 6, 0], sizes = [1024, 1, 16], strides = [1, 1, 1]} : vector<1024x8x16xf32> to vector<1024x1x16xf32>
    %squeeze3A_32 = vector.shape_cast %slice3A_31 : vector<1024x1x16xf32> to vector<1024x16xf32>
    %swap3A_33 = arith.constant 0 : index
    %swap3A_34 = arith.constant 96 : index
    %swap3A_35 = vector.load %arg2[%swap3A_33, %swap3A_34] : memref<1024x128xf32, #tpu.memory_space<vmem>>, vector<1024x16xf32>
    tpu.vector_store %arg2[%swap3A_33, %swap3A_34], %squeeze3A_32 {strides = array<i32>} : memref<1024x128xf32, #tpu.memory_space<vmem>>, vector<1024x16xf32>,
    %slice3A_36 = vector.extract_strided_slice %reshape3A {offsets = [0, 7, 0], sizes = [1024, 1, 16], strides = [1, 1, 1]} : vector<1024x8x16xf32> to vector<1024x1x16xf32>
    %squeeze3A_37 = vector.shape_cast %slice3A_36 : vector<1024x1x16xf32> to vector<1024x16xf32>
    %swap3A_38 = arith.constant 0 : index
    %swap3A_39 = arith.constant 112 : index
    %swap3A_40 = vector.load %arg2[%swap3A_38, %swap3A_39] : memref<1024x128xf32, #tpu.memory_space<vmem>>, vector<1024x16xf32>
    tpu.vector_store %arg2[%swap3A_38, %swap3A_39], %squeeze3A_37 {strides = array<i32>} : memref<1024x128xf32, #tpu.memory_space<vmem>>, vector<1024x16xf32>,
    return
  }
  func.func @transform_0(%arg0: i32) -> (i32, i32) {
    %c0_i32 = arith.constant 0 : i32
    %c0_i32_0 = arith.constant 0 : i32
    return %c0_i32, %arg0 : i32, i32
  }
  func.func @transform_1(%arg0: i32) -> (i32, i32) {
    %c0_i32 = arith.constant 0 : i32
    %c0_i32_0 = arith.constant 0 : i32
    return %arg0, %c0_i32 : i32, i32
  }
}

</mosaic_0001>

<sc_bundles>
// kernel: kernel.4.cloned.1.call-start
scs
__scs_entry_jumppad:
0x0: {  	(pc) =	sbr.rel $0x88, $3  }
0x1: {  	(tag) =	ssettag $0x0;
	lr =	simm.s32 $0x1  }
0x2: {  	[smem:$0x3F9F] =	sst lr;
	_ =	strace $0xD0000000  }
0x3: {  	_ = 	snop  }
0x4: {  	_ = 	snop  }
0x5: {  	_ = 	snop  }
0x6: {  	_ = 	snop  }
0x7: {  	_ = 	snop  }
__scs_overlays_trampoline_lowered:
0x8: {  	[smem:$0x3FAE] =	sst s0  }
0x9: {  	[smem:$0x3FAF] =	sst s1  }
0xa: {  	[smem:$0x3FB0] =	sst s2  }
0xb: {  	[smem:$0x3FB1] =	sst s3  }
0xc: {  	[smem:$0x3FB2] =	sst s4  }
0xd: {  	[smem:$0x3FB3] =	sst s5  }
0xe: {  	[smem:$0x3FB4] =	sst s6  }
0xf: {  	[smem:$0x3FB5] =	sst s7  }
0x10: {  	[smem:$0x3FB6] =	sst s8  }
0x11: {  	[smem:$0x3FB7] =	sst s9;
	s0 =	simm.s32 @!p0 $0x0  }
0x12: {  	s1 =	sld [smem:$0x3F9D];
	s0 =	simm.s32 @p0 $0x1  }
0x13: {  	[smem:$0x3FB8] =	sst s0;
	s0 =	simm.s32 @!p1 $0x0  }
0x14: {  	s2 =	sld [smem:$0x3F9C];
	s0 =	simm.s32 @p1 $0x1  }
0x15: {  	[smem:$0x3FB9] =	sst s0;
	s0 =	simm.s32 @!p2 $0x0  }
0x16: {  	s3 =	sld [smem:$0x3FDB];
	s0 =	simm.s32 @p2 $0x1  }
0x17: {  	s4 =	simm.s32 $0x1BF5;
	[smem:$0x3FBB] =	sst s0  }
0x18: {  	s0 =	sld [smem:$0x3F9E];
	_ =	swait.ge [sflag:s4], $0x0  }
0x19: {  	s7 =	sld [smem:$0x3F9F]  }
0x1a: {  	s8 =	sadd.s32 $0xFFFFE003, lr  }
0x1b: {  	s9 =	sadd.s32 $0xFFFFFEF7, lr;
	s5 =	simm.s32 $0xFFFFFFFF;
	p2 =	slt.u32 s8, $0xFFFFF086  }
0x1c: {  	p1 =	slt.u32 s9, $0xF7A;
	s5 =	simm.s32 @!p2 $0x0  }
0x1d: {  	s5 =	simm.s32 @p1 $0x1;
	p0 =	seq.s32 s7, s2  }
0x1e: {  	s7 =	smul.u32 @!p0 $0xF7A, s2;
	p2 =	seq.s32 @!p0 s5, $0x0  }
0x1f: {  	s9 =	smul.u32 $0xF7A, s1;
	s8 =	simm.s32 @!p0 $0x1BF5;
	p2 =	por !p2, p0  }
0x20: {  	[sflag:s8] =	ssyncset.s32 @!p0 $0xFFFFF086;
	s6 =	sadd.s32 @!p0 s3, s7;
	s7 =	simm.s32 @!p0 $0x108  }
0x21: {  	s3 =	sadd.s32 s3, s9;
	s6 =	sadd.s32 @!p0 $0x88, s6;
	s7 =	simm.s32 @p2 $0x1082  }
0x22: {  	[simem:s7], [sflag:s8] =	dma.local @!p0 [hbm:s6], $0xF7A  }
0x23: {  	s9 =	sor.u32 $0xD0000000, s2;
	s6 =	simm.s32 $0x108;
	_ =	swait.ge @!p0 [sflag:s8], $0x0  }
0x24: {  	s3 =	sadd.s32 $0x88, s3;
	s6 =	simm.s32 @!p1 $0x1082;
	[sflag:s4] =	ssyncset.s32 $0xFFFFF086  }
0x25: {  	[simem:s6], [sflag:s4] =	dma.local [hbm:s3], $0xF7A  }
0x26: {  	[smem:$0x3F9F] =	sst s1;
	(tag) =	ssettag s2;
	_ =	strace s9  }
0x27: {  	s1 =	sld [smem:$0x3FAF]  }
0x28: {  	s2 =	sld [smem:$0x3FB0]  }
0x29: {  	s4 =	sld [smem:$0x3FB2]  }
0x2a: {  	p0 =	seq.s32 s5, $0x0;
	s5 =	sld [smem:$0x3FB3]  }
0x2b: {  	s6 =	sld [smem:$0x3FB4]  }
0x2c: {  	s7 =	sld [smem:$0x3FB5]  }
0x2d: {  	s3 =	simm.s32 $0x108;
	s8 =	sld [smem:$0x3FB6]  }
0x2e: {  	s3 =	simm.s32 @!p0 $0x1082;
	s9 =	sld [smem:$0x3FB7]  }
0x2f: {  	lr =	sadd.s32 s0, s3;
	s0 =	sld [smem:$0x3FAE]  }
0x30: {  	s3 =	sld [smem:$0x3FB1]  }
0x31: {  	[smem:$0x3FBA] =	sst s10  }
0x32: {  	s10 =	sld [smem:$0x3FB8];
	_ =	sdelay $0x3  }
0x33: {  	p0 =	seq.s32 s10, $0x1;
	s10 =	sld [smem:$0x3FBA];
	_ =	sdelay $0x3  }
0x34: {  	[smem:$0x3FBA] =	sst s10  }
0x35: {  	s10 =	sld [smem:$0x3FB9];
	_ =	sdelay $0x3  }
0x36: {  	p1 =	seq.s32 s10, $0x1;
	s10 =	sld [smem:$0x3FBA];
	_ =	sdelay $0x3  }
0x37: {  	[smem:$0x3FBA] =	sst s10  }
0x38: {  	s10 =	sld [smem:$0x3FBB]  }
0x39: {  	_ = 	snop;
	(pc) =	sbr.ind lr, $3  }
0x3a: {  	_ = 	snop  }
0x3b: {  	_ = 	snop  }
0x3c: {  	p2 =	seq.s32 s10, $0x1;
	s10 =	sld [smem:$0x3FBA]  }
0x3d: {  	_ =	shalt  }
0x3e: {  	_ =	shalt  }
0x3f: {  	_ =	shalt  }
0x40: {  	_ =	shalt  }
0x41: {  	_ =	shalt  }
0x42: {  	_ =	shalt  }
0x43: {  	_ =	shalt  }
0x44: {  	_ =	shalt  }
0x45: {  	_ =	shalt  }
0x46: {  	_ =	shalt  }
0x47: {  	_ =	shalt  }
0x48: {  	_ =	shalt  }
0x49: {  	_ =	shalt  }
0x4a: {  	_ =	shalt  }
0x4b: {  	_ =	shalt  }
0x4c: {  	_ =	shalt  }
0x4d: {  	_ =	shalt  }
0x4e: {  	_ =	shalt  }
0x4f: {  	_ =	shalt  }
0x50: {  	_ =	shalt  }
0x51: {  	_ =	shalt  }
0x52: {  	_ =	shalt  }
0x53: {  	_ =	shalt  }
0x54: {  	_ =	shalt  }
0x55: {  	_ =	shalt  }
0x56: {  	_ =	shalt  }
0x57: {  	_ =	shalt  }
0x58: {  	_ =	shalt  }
0x59: {  	_ =	shalt  }
0x5a: {  	_ =	shalt  }
0x5b: {  	_ =	shalt  }
0x5c: {  	_ =	shalt  }
0x5d: {  	_ =	shalt  }
0x5e: {  	_ =	shalt  }
0x5f: {  	_ =	shalt  }
0x60: {  	_ =	shalt  }
0x61: {  	_ =	shalt  }
0x62: {  	_ =	shalt  }
0x63: {  	_ =	shalt  }
0x64: {  	_ =	shalt  }
0x65: {  	_ =	shalt  }
0x66: {  	_ =	shalt  }
0x67: {  	_ =	shalt  }
0x68: {  	_ =	shalt  }
0x69: {  	_ =	shalt  }
0x6a: {  	_ =	shalt  }
0x6b: {  	_ =	shalt  }
0x6c: {  	_ =	shalt  }
0x6d: {  	_ =	shalt  }
0x6e: {  	_ =	shalt  }
0x6f: {  	_ =	shalt  }
0x70: {  	_ =	shalt  }
0x71: {  	_ =	shalt  }
0x72: {  	_ =	shalt  }
0x73: {  	_ =	shalt  }
0x74: {  	_ =	shalt  }
0x75: {  	_ =	shalt  }
0x76: {  	_ =	shalt  }
0x77: {  	_ =	shalt  }
0x78: {  	_ =	shalt  }
0x79: {  	_ =	shalt  }
0x7a: {  	_ =	shalt  }
0x7b: {  	_ =	shalt  }
0x7c: {  	_ =	shalt  }
0x7d: {  	_ =	shalt  }
0x7e: {  	_ =	shalt  }
0x7f: {  	_ =	shalt  }
0x80: {  	_ =	shalt  }
0x81: {  	_ =	shalt  }
0x82: {  	_ =	shalt  }
0x83: {  	_ =	shalt  }
0x84: {  	_ =	shalt  }
0x85: {  	_ =	shalt  }
0x86: {  	_ =	shalt  }
0x87: {  	_ =	shalt  }
.Lfunc_end0:
.L_simem_size_0:
called_computation_lowered:
.L_overlay_start_0:
0x88: {  	s2 =	sld [smem:$0x3FD9]  }
0x89: {  	s3 =	sld [smem:$0x3FFE];
	_ =	sdelay $0x1  }
0x8a: {  	s1 =	srdreg.scid  }
0x8b: {  	s0 =	sand.u32 $0x1, s1  }
0x8c: {  	s17 =	sshll.u32 s0, $0xA;
	s2 =	sadd.s32 s3, s2  }
0x8d: {  	s2 =	sadd.s32 s2, s17  }
0x8e: {  	[smem:$0x3FC6] =	sst s2  }
0x8f: {  	_ = 	snop  }
0x90: {  	s2 =	sld [smem:$0x3FC9]  }
0x91: {  	s18 =	sld [smem:$0x3FD0];
	(tm) =	ssettm $0x1  }
0x92: {  	s4 =	sld [smem:$0x3FFB];
	_ =	sdelay $0x3  }
0x93: {  	_ =	strace s4  }
0x94: {  	s4 =	sld [smem:$0x3FFC];
	_ =	sdelay $0x3  }
0x95: {  	_ =	strace s4  }
0x96: {  	s4 =	sld [smem:$0x3FFD];
	_ =	sdelay $0x3  }
0x97: {  	_ =	strace s4  }
0x98: {  	_ =	strace $0x8FFFFFFF  }
0x99: {  	s19 =	sld [smem:$0x3FDB];
	_ =	sdelay $0x1  }
0x9a: {  	s5 =	simm.s32 $_scs_section_size  }
0x9b: {  	s6 =	simm.s32 $_size__tile_overlayer_lowered;
	s7 =	simm.s32 $_tile_overlayer_lowered  }
0x9c: {  	s22 =	simm.s32 $0x1BFF;
	s21 =	sshll.u32 s7, $0x1;
	s4 =	sadd.s32 s5, s19  }
0x9d: {  	s8 =	simm.s32 $0x0;
	s20 =	sshll.u32 s6, $0x1;
	s6 =	sadd.s32 s21, s4  }
0x9e: {  	[timem:s8], [sflag:s22] =	dma.local [hbm:s6], s20  }
0x9f: {  	_ =	swait.ge [sflag:s22], s20  }
0xa0: {  	s5 =	ssub.s32 $0x0, s20;
	[sflag:s22] =	ssyncset.done $0x0  }
0xa1: {  	[sflag:s22] =	ssyncadd.s32 s5;
	_ =	sdelay $0x1  }
0xa2: {  	s23 =	simm.s32 $0x1B8B  }
0xa3: {  	_ =	swait.ge [sflag:s23], $0x1  }
0xa4: {  	[sflag:s23] =	ssyncset.done $0x0  }
0xa5: {  	s25 =	simm.s32 $0x1B8E;
	s24 =	sld [smem:$0x3FFE];
	[sflag:s23] =	ssyncadd.s32 $0xFFFFFFFF  }
0xa6: {  	s26 =	simm.s32 $execute0_lowered;
	[smem:$0x3FD2] =	sst s25  }
0xa7: {  	s6 =	sshll.u32 s26, $0x1;
	_ =	strace $0x80000046;
	[dreg:$0x1] =	wrdreg $0xFFFFFFFF  }
0xa8: {  	s28 =	simm.s32 $_size_execute0_lowered;
	s4 =	sadd.s32 s4, s6;
	[dreg:$0x0] =	wrdreg $0x0  }
0xa9: {  	s6 =	sshll.u32 s28, $0x1;
	[dreg:$0x2] =	wrdreg s4  }
0xaa: {  	[dreg:$0x3] =	wrdreg s6  }
0xab: {  	[dreg:$0x4] =	wrdreg $0xC0  }
0xac: {  	_ =	task [dreg:s8], $0x5FFFF  }
0xad: {  	[dreg:$0x1] =	wrdreg $0xFFFFFFFF  }
0xae: {  	[dreg:$0x0] =	wrdreg $0x60  }
0xaf: {  	[dreg:$0x2] =	wrdreg s2  }
0xb0: {  	[dreg:$0x3] =	wrdreg s24  }
0xb1: {  	[dreg:$0x4] =	wrdreg s18  }
0xb2: {  	[dreg:$0x5] =	wrdreg $0x9  }
0xb3: {  	_ =	task.clear_ibuf [dreg:s8], $0x6FFFF;
	_ =	strace $0x90000046  }
0xb4: {  	s29 =	simm.s32 $0x9;
	_ =	strace $0x80000048  }
0xb5: {  	_ =	swait.ge [sflag:s29], $0x1  }
0xb6: {  	[sflag:s29] =	ssyncadd.s32 $0xFFFFFFFF  }
0xb7: {  	_ =	strace $0x90000048  }
0xb8: {  	_ =	sfence  }
0xb9: {  	s30 =	sld [smem:$0x0];
	_ =	sdelay $0x2  }
0xba: {  	s31 =	sshll.u32 s1, $0xD;
	s1 =	sshrl.u32 s1, $0x2  }
0xbb: {  	s3 =	sand.u32 $0x4000, s31;
	s1 =	sadd.s32 s1, s30  }
0xbc: {  	s0 =	sor.u32 s3, s0;
	s1 =	sshll.u32 s1, $0x11  }
0xbd: {  	s0 =	sor.u32 s1, s0  }
0xbe: {  	s0 =	sadd.s32 $0x8F2B, s0  }
0xbf: {  	[sflag:s0] =	ssyncadd.remote.s32 $0x1  }
0xc0: {  	_ =	sfence.sel $0xFFFF  }
0xc1: {  	[dreg:$0x0] =	wrdreg $0xFFFFFFFF;
	(pc) =	sbr.abs _section_cstart, $3  }
0xc2: {  	[dreg:$0x1] =	wrdreg $0xFFFFFFFF  }
0xc3: {  	_ =	task.clear_ibuf [dreg:s8], $0x2FFFF;
	_ =	strace $0x9FFFFFFF  }
0xc4: {  	(tm) =	ssettm $0x7FFFFFFF  }
0xc5: {  	_ =	shalt  }
tec
execute0_lowered:
.L_overlay_start_1:
0x0: {  	(tag) =	ssettag $0x1  }
0x1: {  	v0 =	vimm.s32 $0xEFCDAB89  }
0x2: {  	vm0 =	vcmask $0xB08;
	vm1 =	vcmask $0x300;
	v1 =	vimm.s32 $0x67452301  }
0x3: {  	v2 =	vimm.s32 $0xDCFE98BA;
	v3 =	vimm.s32 $0x54761032;
	vm2 =	vcmask $0x700  }
0x4: {  	vm3 =	vcmask $0x3B38;
	v4 =	vimm.s32 $0xFEDCBA98;
	v5 =	vimm.s32 $0x76543210  }
0x5: {  	v0 =	vunpack.c.l.s4.s8 v0;
	vm0 =	vmor vm1, vm0;
	vm1 =	vcmask $0x1310  }
0x6: {  	v1 =	vunpack.c.l.s4.s8 v1;
	v2 =	vunpack.c.l.s4.s8 v2;
	v3 =	vunpack.c.l.s4.s8 v3  }
0x7: {  	v4 =	vunpack.c.l.s4.s8 v4;
	vm0 =	vmor vm0, vm1;
	vm1 =	vcmask $0x1B18  }
0x8: {  	v0 =	vunpack.c.0.s8.s32 v0;
	vm0 =	vmor vm0, vm1;
	vm1 =	vcmask $0x2320  }
0x9: {  	v1 =	vunpack.c.0.s8.s32 v1;
	vm0 =	vmor vm0, vm1;
	vm1 =	vcmask $0x2B28  }
0xa: {  	s0 =	rddreg [dreg:$0x0];
	v4 =	vunpack.c.0.s8.s32 v4;
	vm0 =	vmor vm0, vm1;
	vm1 =	vcmask $0x3330  }
0xb: {  	s3 =	rddreg [dreg:$0x1];
	v0 =	vcombine.low v1, v0;
	v1 =	vunpack.c.0.s8.s32 v2;
	v2 =	vunpack.c.0.s8.s32 v3  }
0xc: {  	s6 =	rddreg [dreg:$0x2];
	v3 =	vimm.s32 $0x32107654;
	vm0 =	vmor vm0, vm1;
	vm1 =	vcmask $0x1710  }
0xd: {  	s4 =	srdreg.scid;
	s2 =	simm.s32 $0x0;
	s1 =	stileid.u32;
	v3 =	vunpack.c.l.s4.s8 v3;
	v1 =	vcombine.low v2, v1;
	v2 =	vimm.s32 $0xBA98FEDC  }
0xe: {  	s9 =	simm.s32 $0x400;
	s10 =	simm.s32 $0x3;
	s14 =	simm.s32 $0x1;
	vm1 =	vmor vm2, vm1;
	vm2 =	vcmask $0x2720;
	v2 =	vunpack.c.l.s4.s8 v2  }
0xf: {  	s20 =	simm.s32 $0x2;
	s4 =	sand.u32 $0x1, s4;
	[smem:$0x7FF] =	sst s2;
	v5 =	vunpack.c.l.s4.s8 v5;
	v4 =	vand.u32 $0xF, v4;
	vm1 =	vmor vm1, vm2  }
0x10: {  	s5 =	sshll.u32 s1, $0xA;
	s3 =	sadd.s32 $0x400, s3;
	s8 =	ssub.s32 $0x2, s4;
	vm2 =	vcmask $0x3730;
	v3 =	vunpack.c.0.s8.s32 v3;
	v2 =	vunpack.c.0.s8.s32 v2  }
0x11: {  	s1 =	simm.s32 $0x0;
	s7 =	sshll.u32 s4, $0x9;
	s30 =	sshrl.u32 s8, $0x1;
	vm0 =	vmor vm0, vm3;
	vm3 =	vcmask $0xF00;
	vm1 =	vmor vm1, vm2  }
0x12: {  	_ =	strace $0x80000047;
	s7 =	sor.u32 s7, s5;
	s31 =	ssub.s32 s8, s30;
	vm2 =	vcmask $0x2F20;
	v2 =	vcombine.low v3, v2;
	v3 =	vunpack.c.0.s8.s32 v5  }
0x13: {  	s4 =	sadd.s32 s0, s7;
	s6 =	sadd.s32 s6, s7;
	s0 =	smax.u32 s31, $0x1;
	v0 =	vand.u32 $0xF, v0;
	v1 =	vand.u32 $0xF, v1;
	vm2 =	vmor vm3, vm2  }
0x14: {  	s8 =	simm.s32 $0x80;
	s5 =	sadd.s32 $0x100, s4;
	[dreg:$0x4] =	wrdreg s0;
	vm3 =	vmmov $0xff;
	v2 =	vand.u32 $0xF, v2;
	v3 =	vcombine.low v4, v3  }
.LBB2_1:
0x15: {  	[dreg:$0x5] =	wrdreg s1;
	s0 =	simm.s32 $0x0  }
0x16: {  	[tilespmem:s0], [sflag:$0x3] =	stream.strided.gather [hbm4b:s4+s8], $0x100, s9, s8, $0x38;
	[tilespmem:$0x12400] =	vst v63  }
0x17: {  	_ =	swait.ge [sflag:s10], $0x100  }
0x18: {  	[sflag:s10] =	ssyncset.done $0x0  }
0x19: {  	[sflag:s10] =	ssyncadd.s32 $0xFFFFFF00  }
0x1a: {  	v4 =	vld [tilespmem:$0x0]  }
0x1b: {  	v5 =	vld [tilespmem:$0x10]  }
0x1c: {  	v6 =	vld [tilespmem:$0x20]  }
0x1d: {  	v7 =	vld [tilespmem:$0x30]  }
0x1e: {  	v8 =	vld [tilespmem:$0x40]  }
0x1f: {  	v9 =	vld [tilespmem:$0x50];
	v4 =	vshra.s32 v4, $0x3  }
0x20: {  	[tilespmem:$0x200] =	vst v4;
	v4 =	vshra.s32 v5, $0x3;
	v5 =	vld [tilespmem:$0x60]  }
0x21: {  	v56 =	vld [tilespmem:$0x70];
	[tilespmem:$0x210] =	vst v4;
	v4 =	vshra.s32 v6, $0x3  }
0x22: {  	v57 =	vld [tilespmem:$0x80];
	[tilespmem:$0x220] =	vst v4;
	v4 =	vshra.s32 v7, $0x3  }
0x23: {  	v58 =	vld [tilespmem:$0x90];
	[tilespmem:$0x230] =	vst v4;
	v4 =	vshra.s32 v8, $0x3  }
0x24: {  	v59 =	vld [tilespmem:$0xA0];
	[tilespmem:$0x240] =	vst v4;
	v4 =	vshra.s32 v9, $0x3  }
0x25: {  	[tilespmem:$0x250] =	vst v4;
	v4 =	vshra.s32 v5, $0x3;
	v5 =	vld [tilespmem:$0xB0]  }
0x26: {  	v60 =	vld [tilespmem:$0xC0];
	[tilespmem:$0x260] =	vst v4;
	v4 =	vshra.s32 v56, $0x3  }
0x27: {  	v61 =	vld [tilespmem:$0xD0];
	[tilespmem:$0x270] =	vst v4;
	v4 =	vshra.s32 v57, $0x3  }
0x28: {  	v62 =	vld [tilespmem:$0xE0];
	[tilespmem:$0x280] =	vst v4;
	v4 =	vshra.s32 v58, $0x3  }
0x29: {  	v63 =	vld [tilespmem:$0xF0];
	[tilespmem:$0x290] =	vst v4;
	v4 =	vshra.s32 v59, $0x3  }
0x2a: {  	[tilespmem:$0x2A0] =	vst v4;
	v4 =	vshra.s32 v5, $0x3  }
0x2b: {  	[tilespmem:$0x2B0] =	vst v4;
	v4 =	vshra.s32 v60, $0x3  }
0x2c: {  	[tilespmem:$0x2C0] =	vst v4;
	v4 =	vshra.s32 v61, $0x3  }
0x2d: {  	[tilespmem:$0x2D0] =	vst v4;
	v4 =	vshra.s32 v62, $0x3  }
0x2e: {  	[tilespmem:$0x2E0] =	vst v4;
	v4 =	vshra.s32 v63, $0x3  }
0x2f: {  	s29 =	simm.s32 $0x200;
	[tilespmem:$0x2F0] =	vst v4  }
0x30: {  	[tilespmem:s9], [sflag:$0x1] =	stream.indirect.gather [hbm4b:s3+s8], $0x80, s29, s8, $0xb8;
	[tilespmem:$0x12400] =	vst v63  }
0x31: {  	s30 =	simm.s32 $0x280;
	s31 =	simm.s32 $0x4400;
	s25 =	simm.s32 $0x0  }
0x32: {  	[tilespmem:s31], [sflag:$0x1] =	stream.indirect.gather [hbm4b:s3+s8], $0x80, s30, s8, $0xb8;
	[tilespmem:$0x12400] =	vst v63  }
.LBB2_2:
0x33: {  	_ =	swait.ge [sflag:s14], $0x4000  }
0x34: {  	[sflag:s14] =	ssyncset.done $0x0  }
0x35: {  	s0 =	sshll.u32 s25, $0xB;
	[sflag:s14] =	ssyncadd.s32 $0xFFFFC000  }
0x36: {  	s26 =	sshll.u32 s25, $0x4;
	s0 =	sand.u32 $0x1C000, s0;
	_ =	swait.ge [sflag:s14], $0x4000  }
0x37: {  	s26 =	sand.u32 $0x70, s26;
	s0 =	sadd.s32 s0, s5;
	[sflag:s14] =	ssyncset.done $0x0  }
0x38: {  	s1 =	simm.s32 $0x100;
	s0 =	sadd.s32 s26, s0;
	[sflag:s14] =	ssyncadd.s32 $0xFFFFC000  }
0x39: {  	[tilespmem:s1], [sflag:$0x3] =	stream.strided.gather [hbm4b:s0+s8], $0x100, s9, s8, $0x38;
	[tilespmem:$0x12400] =	vst v63  }
0x3a: {  	_ =	swait.ge [sflag:s10], $0x100  }
0x3b: {  	[sflag:s10] =	ssyncset.done $0x0  }
0x3c: {  	[sflag:s10] =	ssyncadd.s32 $0xFFFFFF00  }
0x3d: {  	v4 =	vld [tilespmem:$0x100]  }
0x3e: {  	v5 =	vld [tilespmem:$0x110]  }
0x3f: {  	v6 =	vld [tilespmem:$0x120]  }
0x40: {  	v7 =	vld [tilespmem:$0x130]  }
0x41: {  	v8 =	vld [tilespmem:$0x140]  }
0x42: {  	v9 =	vld [tilespmem:$0x150];
	v4 =	vshra.s32 v4, $0x3  }
0x43: {  	[tilespmem:$0x300] =	vst v4;
	v4 =	vshra.s32 v5, $0x3;
	v5 =	vld [tilespmem:$0x160]  }
0x44: {  	v56 =	vld [tilespmem:$0x170];
	[tilespmem:$0x310] =	vst v4;
	v4 =	vshra.s32 v6, $0x3  }
0x45: {  	v57 =	vld [tilespmem:$0x180];
	[tilespmem:$0x320] =	vst v4;
	v4 =	vshra.s32 v7, $0x3  }
0x46: {  	v58 =	vld [tilespmem:$0x190];
	[tilespmem:$0x330] =	vst v4;
	v4 =	vshra.s32 v8, $0x3  }
0x47: {  	v59 =	vld [tilespmem:$0x1A0];
	[tilespmem:$0x340] =	vst v4;
	v4 =	vshra.s32 v9, $0x3  }
0x48: {  	[tilespmem:$0x350] =	vst v4;
	v4 =	vshra.s32 v5, $0x3;
	v5 =	vld [tilespmem:$0x1B0]  }
0x49: {  	v60 =	vld [tilespmem:$0x1C0];
	[tilespmem:$0x360] =	vst v4;
	v4 =	vshra.s32 v56, $0x3  }
0x4a: {  	v61 =	vld [tilespmem:$0x1D0];
	[tilespmem:$0x370] =	vst v4;
	v4 =	vshra.s32 v57, $0x3  }
0x4b: {  	v62 =	vld [tilespmem:$0x1E0];
	[tilespmem:$0x380] =	vst v4;
	v4 =	vshra.s32 v58, $0x3  }
0x4c: {  	v63 =	vld [tilespmem:$0x1F0];
	[tilespmem:$0x390] =	vst v4;
	v4 =	vshra.s32 v59, $0x3  }
0x4d: {  	[tilespmem:$0x3A0] =	vst v4;
	v4 =	vshra.s32 v5, $0x3  }
0x4e: {  	[tilespmem:$0x3B0] =	vst v4;
	v4 =	vshra.s32 v60, $0x3  }
0x4f: {  	[tilespmem:$0x3C0] =	vst v4;
	v4 =	vshra.s32 v61, $0x3  }
0x50: {  	[tilespmem:$0x3D0] =	vst v4;
	v4 =	vshra.s32 v62, $0x3  }
0x51: {  	[tilespmem:$0x3E0] =	vst v4;
	v4 =	vshra.s32 v63, $0x3  }
0x52: {  	s23 =	simm.s32 $0x300;
	s24 =	simm.s32 $0x8400;
	[tilespmem:$0x3F0] =	vst v4  }
0x53: {  	[tilespmem:s24], [sflag:$0x2] =	stream.indirect.gather [hbm4b:s3+s8], $0x80, s23, s8, $0xb8;
	[tilespmem:$0x12400] =	vst v63  }
0x54: {  	s31 =	simm.s32 $0xC400;
	s28 =	simm.s32 $0x0;
	s26 =	simm.s32 $0x380  }
0x55: {  	[tilespmem:s31], [sflag:$0x2] =	stream.indirect.gather [hbm4b:s3+s8], $0x80, s26, s8, $0xb8;
	[tilespmem:$0x12400] =	vst v63  }
0x56: {  	s29 =	simm.s32 $0x0;
	s30 =	simm.s32 $0x0;
	s26 =	simm.s32 $0x0  }
.LBB2_3:
0x57: {  	v4 =	vld [tilespmem:s26+$0x0];
	_ =	sdelay $0x4  }
0x58: {  	(v2sf) =	vpush v4, $0x0  }
0x59: {  	(v2sf) =	vpush v4, $0x1  }
0x5a: {  	(v2sf) =	vpush v4, $0x2  }
0x5b: {  	(v2sf) =	vpush v4, $0x3;
	_ =	sdelay $0x1  }
0x5c: {  	(v2sf) =	vpush v4, $0x4  }
0x5d: {  	(v2sf) =	vpush v4, $0x5  }
0x5e: {  	(v2sf) =	vpush v4, $0x6;
	_ =	sdelay $0x2  }
0x5f: {  	(v2sf) =	vpush v4, $0x7  }
0x60: {  	(v2sf) =	vpush v4, $0x8;
	_ =	sdelay $0x1  }
0x61: {  	(v2sf) =	vpush v4, $0x9;
	_ =	sdelay $0x1  }
0x62: {  	(v2sf) =	vpush v4, $0xA;
	s0 =	spop (v2sf)  }
0x63: {  	s1 =	spop (v2sf)  }
0x64: {  	s31 =	sshra.s32 s30, $0x2;
	(v2sf) =	vpush v4, $0xB;
	s0 =	sand.u32 $0x7, s0;
	s7 =	spop (v2sf)  }
0x65: {  	s0 =	sshll.u32 s0, $0x4;
	s1 =	sand.u32 $0x7, s1;
	s24 =	spop (v2sf)  }
0x66: {  	(v2sf) =	vpush v4, $0xC;
	s0 =	sadd.s32 s31, s0;
	s1 =	sshll.u32 s1, $0x4;
	s7 =	sand.u32 $0x7, s7  }
0x67: {  	s2 =	spop (v2sf);
	s24 =	sand.u32 $0x7, s24;
	s1 =	sadd.s32 s31, s1  }
0x68: {  	(v2sf) =	vpush v4, $0xD;
	v5 =	vld [tilespmem:s0+$0x400];
	s23 =	sshll.u32 s7, $0x4;
	s11 =	spop (v2sf);
	s24 =	sshll.u32 s24, $0x4  }
0x69: {  	v6 =	vld [tilespmem:s1+$0x480];
	s23 =	sadd.s32 s31, s23;
	s2 =	sand.u32 $0x7, s2;
	s12 =	spop (v2sf)  }
0x6a: {  	(v2sf) =	vpush v4, $0xE;
	s24 =	sadd.s32 s31, s24;
	v7 =	vld [tilespmem:s23+$0x500];
	s7 =	sshll.u32 s2, $0x4;
	s11 =	sand.u32 $0x7, s11  }
0x6b: {  	s12 =	sand.u32 $0x7, s12;
	v8 =	vld [tilespmem:s24+$0x580];
	s0 =	sadd.s32 s31, s7;
	s23 =	sshll.u32 s11, $0x4  }
0x6c: {  	s13 =	spop (v2sf);
	s24 =	sshll.u32 s12, $0x4;
	v9 =	vld [tilespmem:s0+$0x600];
	s7 =	sadd.s32 s31, s23  }
0x6d: {  	(v2sf) =	vpush v4, $0xF;
	s15 =	spop (v2sf);
	s12 =	sand.u32 $0x7, s13;
	s11 =	sadd.s32 s31, s24;
	v10 =	vld [tilespmem:s7+$0x680];
	v18 =	vperm.xlane v5, v0  }
0x6e: {  	s13 =	sshll.u32 s12, $0x4;
	s23 =	sand.u32 $0x7, s15;
	v11 =	vld [tilespmem:s11+$0x700];
	v16 =	vperm.xlane v6, v0  }
0x6f: {  	vm4 =	veq.s32 v4, $0x0;
	s16 =	spop (v2sf);
	s0 =	sadd.s32 s31, s13;
	s11 =	sshll.u32 s23, $0x4;
	v20 =	vperm.xlane v7, v0;
	v6 =	vsel vm0, v18, v6  }
0x70: {  	s24 =	sand.u32 $0x7, s16;
	v12 =	vld [tilespmem:s0+$0x780];
	s13 =	sadd.s32 s31, s11;
	v5 =	vsel vm0, v5, v16;
	v39 =	vperm.xlane v8, v0;
	v54 =	vperm.xlane v6, v1  }
0x71: {  	s17 =	spop (v2sf);
	s12 =	sshll.u32 s24, $0x4;
	v13 =	vld [tilespmem:s13+$0x800];
	v22 =	vperm.xlane v9, v0;
	v8 =	vsel vm0, v20, v8;
	v52 =	vperm.xlane v5, v1  }
0x72: {  	s16 =	sand.u32 $0x7, s17;
	s15 =	sadd.s32 s31, s12;
	v40 =	vperm.xlane v10, v0;
	v7 =	vsel vm0, v7, v39;
	v53 =	vperm.xlane v8, v1  }
0x73: {  	s18 =	spop (v2sf);
	s17 =	sshll.u32 s16, $0x4;
	v14 =	vld [tilespmem:s15+$0x880];
	v8 =	vsel vm1, v54, v8;
	v10 =	vsel vm0, v22, v10;
	v43 =	vperm.xlane v11, v0  }
0x74: {  	s18 =	sand.u32 $0x7, s18;
	s0 =	sadd.s32 s31, s17;
	v51 =	vperm.xlane v7, v1;
	v7 =	vsel vm1, v52, v7;
	v38 =	vperm.xlane v8, v2  }
0x75: {  	s19 =	spop (v2sf);
	s23 =	sshll.u32 s18, $0x4;
	v15 =	vld [tilespmem:s0+$0x900];
	v41 =	vperm.xlane v12, v0;
	v9 =	vsel vm0, v9, v40;
	v58 =	vperm.xlane v10, v1  }
0x76: {  	s19 =	sand.u32 $0x7, s19;
	s1 =	sadd.s32 s31, s23;
	v6 =	vsel vm1, v6, v53;
	v36 =	vperm.xlane v7, v2;
	v45 =	vperm.xlane v13, v0  }
0x77: {  	s21 =	spop (v2sf);
	s24 =	sshll.u32 s19, $0x4;
	v17 =	vld [tilespmem:s1+$0x980];
	v12 =	vsel vm0, v43, v12;
	v5 =	vsel vm1, v5, v51;
	v56 =	vperm.xlane v9, v1  }
0x78: {  	s11 =	sand.u32 $0x7, s21;
	s7 =	sadd.s32 s31, s24;
	v34 =	vperm.xlane v6, v2;
	v11 =	vsel vm0, v11, v41;
	v44 =	vperm.xlane v14, v0  }
0x79: {  	s22 =	spop (v2sf);
	s12 =	sshll.u32 s11, $0x4;
	v19 =	vld [tilespmem:s7+$0xA00];
	v57 =	vperm.xlane v12, v1;
	v12 =	vsel vm1, v58, v12;
	v32 =	vperm.xlane v5, v2  }
0x7a: {  	s13 =	sand.u32 $0x7, s22;
	s0 =	sadd.s32 s31, s12;
	v24 =	vperm.xlane v15, v0;
	v14 =	vsel vm0, v45, v14;
	v55 =	vperm.xlane v11, v1  }
0x7b: {  	s16 =	sshll.u32 s13, $0x4;
	v21 =	vld [tilespmem:s0+$0xA80];
	v11 =	vsel vm1, v56, v11;
	v37 =	vperm.xlane v12, v2;
	v12 =	vsel vm2, v38, v12  }
0x7c: {  	s15 =	spop (v2sf);
	s18 =	sadd.s32 s31, s16;
	v46 =	vperm.xlane v17, v0;
	v13 =	vsel vm0, v13, v44;
	v10 =	vsel vm1, v10, v57  }
0x7d: {  	s17 =	sand.u32 $0x7, s15;
	v23 =	vld [tilespmem:s18+$0xB00];
	v62 =	vperm.xlane v14, v1;
	v35 =	vperm.xlane v11, v2;
	v11 =	vsel vm2, v36, v11  }
0x7e: {  	s19 =	sshll.u32 s17, $0x4;
	v17 =	vsel vm0, v24, v17;
	v48 =	vperm.xlane v19, v0;
	v9 =	vsel vm1, v9, v55  }
0x7f: {  	s21 =	sadd.s32 s31, s19;
	v60 =	vperm.xlane v13, v1;
	v33 =	vperm.xlane v10, v2;
	v10 =	vsel vm2, v34, v10  }
0x80: {  	v42 =	vld [tilespmem:s21+$0xB80];
	v8 =	vsel vm2, v8, v37;
	v47 =	vperm.xlane v21, v0;
	v15 =	vsel vm0, v15, v46  }
0x81: {  	v61 =	vperm.xlane v17, v1;
	v17 =	vsel vm1, v62, v17;
	v31 =	vperm.xlane v9, v2  }
0x82: {  	v9 =	vsel vm2, v32, v9;
	v7 =	vsel vm2, v7, v35;
	v50 =	vperm.xlane v23, v0  }
0x83: {  	v18 =	vsel vm0, v48, v21;
	v59 =	vperm.xlane v15, v1;
	v15 =	vsel vm1, v60, v15  }
0x84: {  	v6 =	vsel vm2, v6, v33;
	v46 =	vperm.xlane v17, v2;
	v16 =	vsel vm0, v19, v47  }
0x85: {  	v49 =	vperm.xlane v42, v0;
	v14 =	vsel vm1, v14, v61;
	v30 =	vperm.xlane v18, v1  }
0x86: {  	v5 =	vsel vm2, v5, v31;
	v44 =	vperm.xlane v15, v2;
	v20 =	vsel vm0, v50, v42  }
0x87: {  	v13 =	vsel vm1, v13, v59;
	v28 =	vperm.xlane v16, v1;
	v42 =	vperm.xlane v14, v2  }
0x88: {  	v19 =	vsel vm0, v23, v49;
	v29 =	vperm.xlane v20, v1;
	v20 =	vsel vm1, v30, v20  }
0x89: {  	v40 =	vperm.xlane v13, v2;
	v63 =	vperm.xlane v19, v1;
	v19 =	vsel vm1, v28, v19  }
0x8a: {  	v45 =	vperm.xlane v20, v2;
	v20 =	vsel vm2, v46, v20;
	v18 =	vsel vm1, v18, v29  }
0x8b: {  	v43 =	vperm.xlane v19, v2;
	v19 =	vsel vm2, v44, v19;
	v41 =	vperm.xlane v18, v2  }
0x8c: {  	v16 =	vsel vm1, v16, v63;
	v18 =	vsel vm2, v42, v18;
	v17 =	vsel vm2, v17, v45  }
0x8d: {  	v52 =	vperm.xlane v19, v3;
	v39 =	vperm.xlane v16, v2;
	v14 =	vsel vm2, v14, v41  }
0x8e: {  	s23 =	sand.u32 $0x400, s29;
	s22 =	sand.u32 $0x70, s28;
	v16 =	vsel vm2, v40, v16;
	v15 =	vsel vm2, v15, v43;
	v48 =	vperm.xlane v14, v3  }
0x8f: {  	s0 =	sor.u32 s22, s23;
	v50 =	vperm.xlane v17, v3;
	v49 =	vperm.xlane v15, v3;
	v54 =	vsel vm3, v11, v52  }
0x90: {  	s1 =	sadd.s32 $0x10400, s0;
	v13 =	vsel vm2, v13, v39;
	v56 =	vsel vm4, $0x0, v54;
	v4 =	vsel vm3, v6, v48  }
0x91: {  	v21 =	vsel vm3, v8, v50;
	v47 =	vperm.xlane v13, v3;
	[tilespmem:s1+$0x300] =	vst v56;
	v4 =	vsel vm4, $0x0, v4  }
0x92: {  	v23 =	vsel vm3, v7, v49;
	v21 =	vsel vm4, $0x0, v21;
	[tilespmem:s1+$0x80] =	vst v4;
	v4 =	vperm.xlane v18, v3  }
0x93: {  	v51 =	vperm.xlane v16, v3;
	v23 =	vsel vm4, $0x0, v23;
	[tilespmem:s1+$0x180] =	vst v21;
	v22 =	vsel vm3, v5, v47  }
0x94: {  	v53 =	vperm.xlane v20, v3;
	[tilespmem:s1+$0x100] =	vst v23;
	v22 =	vsel vm4, $0x0, v22;
	v4 =	vsel vm3, v10, v4  }
0x95: {  	v5 =	vperm.xlane v5, v3;
	[tilespmem:s0+$0x10400] =	vst v22;
	v22 =	vsel vm3, v9, v51;
	v4 =	vsel vm4, $0x0, v4  }
0x96: {  	s24 =	sor.u32 s29, s28;
	v55 =	vsel vm3, v12, v53;
	v22 =	vsel vm4, $0x0, v22;
	[tilespmem:s1+$0x280] =	vst v4;
	v4 =	vperm.xlane v6, v3  }
0x97: {  	s31 =	sor.u32 $0x380, s24;
	v7 =	vperm.xlane v7, v3;
	v5 =	vsel vm3, v5, v13;
	[tilespmem:s1+$0x200] =	vst v22;
	v6 =	vsel vm4, $0x0, v55  }
0x98: {  	v8 =	vperm.xlane v8, v3;
	v5 =	vsel vm4, $0x0, v5;
	[tilespmem:s31+$0x10400] =	vst v6;
	v4 =	vsel vm3, v4, v14  }
0x99: {  	v58 =	vperm.xlane v9, v3;
	v57 =	vsel vm3, v7, v15;
	[tilespmem:s0+$0x11400] =	vst v5;
	v4 =	vsel vm4, $0x0, v4  }
0x9a: {  	v59 =	vperm.xlane v10, v3;
	v5 =	vsel vm3, v8, v17;
	[tilespmem:s0+$0x11480] =	vst v4;
	v4 =	vsel vm4, $0x0, v57  }
0x9b: {  	p0 =	sne.s32 s30, $0x1E000;
	v61 =	vperm.xlane v11, v3;
	v60 =	vsel vm3, v58, v16;
	[tilespmem:s0+$0x11500] =	vst v4;
	v4 =	vsel vm4, $0x0, v5  }
.Ltmp0:
0x9c: {  	v62 =	vperm.xlane v12, v3;
	v5 =	vsel vm3, v59, v18;
	[tilespmem:s0+$0x11580] =	vst v4;
	v4 =	vsel vm4, $0x0, v60;
	(pc) =	sbr.rel @p0 .LBB2_3-.Ltmp0, $4  }
0x9d: {  	v63 =	vsel vm3, v61, v19;
	[tilespmem:s0+$0x11600] =	vst v4;
	v4 =	vsel vm4, $0x0, v5  }
0x9e: {  	v5 =	vsel vm3, v62, v20;
	[tilespmem:s0+$0x11680] =	vst v4;
	v4 =	vsel vm4, $0x0, v63  }
0x9f: {  	s26 =	sadd.s32 $0x10, s26;
	[tilespmem:s0+$0x11700] =	vst v4;
	v4 =	vsel vm4, $0x0, v5  }
0xa0: {  	s30 =	sadd.s32 $0x2000, s30;
	s29 =	sadd.s32 $0x80, s29;
	s28 =	sadd.s32 $0x10, s28;
	[tilespmem:s0+$0x11780] =	vst v4  }
0xa1: {  	_ =	swait.ge [sflag:s20], $0x4000;
	p0 =	seq.s32 s25, $0x31  }
.Ltmp1:
0xa2: {  	[sflag:s20] =	ssyncset.done $0x0;
	(pc) =	sbr.rel @p0 .LBB2_6-.Ltmp1, $4  }
0xa3: {  	[sflag:s20] =	ssyncadd.s32 $0xFFFFC000  }
0xa4: {  	_ =	swait.ge [sflag:s20], $0x4000  }
0xa5: {  	[sflag:s20] =	ssyncset.done $0x0  }
0xa6: {  	s26 =	sadd.s32 $0x1, s25;
	[sflag:s20] =	ssyncadd.s32 $0xFFFFC000  }
0xa7: {  	s0 =	sshll.u32 s26, $0x4;
	s1 =	sshll.u32 s26, $0xB  }
0xa8: {  	s0 =	sand.u32 $0x70, s0;
	s1 =	sand.u32 $0x3C000, s1  }
0xa9: {  	s0 =	sor.u32 s0, s1  }
0xaa: {  	s28 =	simm.s32 $0x0;
	s0 =	sadd.s32 s0, s4  }
0xab: {  	[tilespmem:s28], [sflag:$0x3] =	stream.strided.gather [hbm4b:s0+s8], $0x100, s9, s8, $0x38;
	[tilespmem:$0x12400] =	vst v63  }
0xac: {  	_ =	swait.ge [sflag:s10], $0x100  }
0xad: {  	[sflag:s10] =	ssyncset.done $0x0  }
0xae: {  	[sflag:s10] =	ssyncadd.s32 $0xFFFFFF00  }
0xaf: {  	v4 =	vld [tilespmem:$0x0]  }
0xb0: {  	v5 =	vld [tilespmem:$0x10]  }
0xb1: {  	v6 =	vld [tilespmem:$0x20]  }
0xb2: {  	v7 =	vld [tilespmem:$0x30]  }
0xb3: {  	v8 =	vld [tilespmem:$0x40]  }
0xb4: {  	v9 =	vld [tilespmem:$0x50];
	v4 =	vshra.s32 v4, $0x3  }
0xb5: {  	[tilespmem:$0x200] =	vst v4;
	v4 =	vshra.s32 v5, $0x3;
	v5 =	vld [tilespmem:$0x60]  }
0xb6: {  	v56 =	vld [tilespmem:$0x70];
	[tilespmem:$0x210] =	vst v4;
	v4 =	vshra.s32 v6, $0x3  }
0xb7: {  	v57 =	vld [tilespmem:$0x80];
	[tilespmem:$0x220] =	vst v4;
	v4 =	vshra.s32 v7, $0x3  }
0xb8: {  	v58 =	vld [tilespmem:$0x90];
	[tilespmem:$0x230] =	vst v4;
	v4 =	vshra.s32 v8, $0x3  }
0xb9: {  	v59 =	vld [tilespmem:$0xA0];
	[tilespmem:$0x240] =	vst v4;
	v4 =	vshra.s32 v9, $0x3  }
0xba: {  	[tilespmem:$0x250] =	vst v4;
	v4 =	vshra.s32 v5, $0x3;
	v5 =	vld [tilespmem:$0xB0]  }
0xbb: {  	v60 =	vld [tilespmem:$0xC0];
	[tilespmem:$0x260] =	vst v4;
	v4 =	vshra.s32 v56, $0x3  }
0xbc: {  	v61 =	vld [tilespmem:$0xD0];
	[tilespmem:$0x270] =	vst v4;
	v4 =	vshra.s32 v57, $0x3  }
0xbd: {  	v62 =	vld [tilespmem:$0xE0];
	[tilespmem:$0x280] =	vst v4;
	v4 =	vshra.s32 v58, $0x3  }
0xbe: {  	v63 =	vld [tilespmem:$0xF0];
	[tilespmem:$0x290] =	vst v4;
	v4 =	vshra.s32 v59, $0x3  }
0xbf: {  	[tilespmem:$0x2A0] =	vst v4;
	v4 =	vshra.s32 v5, $0x3  }
0xc0: {  	[tilespmem:$0x2B0] =	vst v4;
	v4 =	vshra.s32 v60, $0x3  }
0xc1: {  	[tilespmem:$0x2C0] =	vst v4;
	v4 =	vshra.s32 v61, $0x3  }
0xc2: {  	[tilespmem:$0x2D0] =	vst v4;
	v4 =	vshra.s32 v62, $0x3  }
0xc3: {  	[tilespmem:$0x2E0] =	vst v4;
	v4 =	vshra.s32 v63, $0x3  }
0xc4: {  	s29 =	simm.s32 $0x200;
	[tilespmem:$0x2F0] =	vst v4  }
0xc5: {  	[tilespmem:s9], [sflag:$0x1] =	stream.indirect.gather [hbm4b:s3+s8], $0x80, s29, s8, $0xb8;
	[tilespmem:$0x12400] =	vst v63  }
0xc6: {  	s30 =	simm.s32 $0x280;
	s31 =	simm.s32 $0x4400  }
0xc7: {  	[tilespmem:s31], [sflag:$0x1] =	stream.indirect.gather [hbm4b:s3+s8], $0x80, s30, s8, $0xb8;
	[tilespmem:$0x12400] =	vst v63  }
.LBB2_6:
0xc8: {  	s28 =	simm.s32 $0x0  }
0xc9: {  	s29 =	simm.s32 $0x100;
	s30 =	simm.s32 $0x0;
	s31 =	simm.s32 $0x0  }
.LBB2_7:
0xca: {  	v4 =	vld [tilespmem:s29+$0x0];
	_ =	sdelay $0x4  }
0xcb: {  	(v2sf) =	vpush v4, $0x0  }
0xcc: {  	(v2sf) =	vpush v4, $0x1  }
0xcd: {  	(v2sf) =	vpush v4, $0x2  }
0xce: {  	(v2sf) =	vpush v4, $0x3;
	_ =	sdelay $0x1  }
0xcf: {  	(v2sf) =	vpush v4, $0x4  }
0xd0: {  	(v2sf) =	vpush v4, $0x5  }
0xd1: {  	(v2sf) =	vpush v4, $0x6;
	_ =	sdelay $0x2  }
0xd2: {  	(v2sf) =	vpush v4, $0x7  }
0xd3: {  	(v2sf) =	vpush v4, $0x8;
	_ =	sdelay $0x1  }
0xd4: {  	(v2sf) =	vpush v4, $0x9;
	_ =	sdelay $0x1  }
0xd5: {  	(v2sf) =	vpush v4, $0xA;
	s0 =	spop (v2sf)  }
0xd6: {  	s1 =	spop (v2sf);
	s0 =	sand.u32 $0x7, s0  }
0xd7: {  	(v2sf) =	vpush v4, $0xB;
	s2 =	spop (v2sf);
	s24 =	sshll.u32 s0, $0x4  }
0xd8: {  	(v2sf) =	vpush v4, $0xC;
	s0 =	sshra.s32 s31, $0x2;
	s1 =	sand.u32 $0x7, s1;
	s7 =	spop (v2sf)  }
0xd9: {  	s24 =	sadd.s32 s0, s24;
	s1 =	sshll.u32 s1, $0x4;
	s2 =	sand.u32 $0x7, s2  }
0xda: {  	s11 =	spop (v2sf);
	s7 =	sand.u32 $0x7, s7;
	s1 =	sadd.s32 s0, s1  }
0xdb: {  	(v2sf) =	vpush v4, $0xD;
	v5 =	vld [tilespmem:s24+$0x8400];
	s2 =	sshll.u32 s2, $0x4;
	s12 =	spop (v2sf);
	s7 =	sshll.u32 s7, $0x4  }
0xdc: {  	v6 =	vld [tilespmem:s1+$0x8480];
	s1 =	sadd.s32 s0, s2;
	s24 =	sand.u32 $0x7, s11;
	s13 =	spop (v2sf)  }
0xdd: {  	(v2sf) =	vpush v4, $0xE;
	s2 =	sadd.s32 s0, s7;
	v7 =	vld [tilespmem:s1+$0x8500];
	s7 =	sshll.u32 s24, $0x4;
	s11 =	sand.u32 $0x7, s12  }
0xde: {  	s12 =	sand.u32 $0x7, s13;
	v8 =	vld [tilespmem:s2+$0x8580];
	s1 =	sadd.s32 s0, s7;
	s13 =	sshll.u32 s11, $0x4  }
0xdf: {  	s15 =	spop (v2sf);
	s24 =	sshll.u32 s12, $0x4;
	v9 =	vld [tilespmem:s1+$0x8600];
	s11 =	sadd.s32 s0, s13  }
0xe0: {  	(v2sf) =	vpush v4, $0xF;
	s16 =	spop (v2sf);
	s13 =	sand.u32 $0x7, s15;
	s12 =	sadd.s32 s0, s24;
	v10 =	vld [tilespmem:s11+$0x8680];
	v18 =	vperm.xlane v5, v0  }
0xe1: {  	s15 =	sshll.u32 s13, $0x4;
	s16 =	sand.u32 $0x7, s16;
	v11 =	vld [tilespmem:s12+$0x8700];
	v16 =	vperm.xlane v6, v0  }
0xe2: {  	vm4 =	veq.s32 v4, $0x0;
	s17 =	spop (v2sf);
	s1 =	sadd.s32 s0, s15;
	s7 =	sshll.u32 s16, $0x4;
	v20 =	vperm.xlane v7, v0;
	v6 =	vsel vm0, v18, v6  }
0xe3: {  	s24 =	sand.u32 $0x7, s17;
	v12 =	vld [tilespmem:s1+$0x8780];
	s13 =	sadd.s32 s0, s7;
	v5 =	vsel vm0, v5, v16;
	v39 =	vperm.xlane v8, v0;
	v54 =	vperm.xlane v6, v1  }
0xe4: {  	s18 =	spop (v2sf);
	s12 =	sshll.u32 s24, $0x4;
	v13 =	vld [tilespmem:s13+$0x8800];
	v22 =	vperm.xlane v9, v0;
	v8 =	vsel vm0, v20, v8;
	v52 =	vperm.xlane v5, v1  }
0xe5: {  	s16 =	sand.u32 $0x7, s18;
	s15 =	sadd.s32 s0, s12;
	v40 =	vperm.xlane v10, v0;
	v7 =	vsel vm0, v7, v39;
	v53 =	vperm.xlane v8, v1  }
0xe6: {  	s19 =	spop (v2sf);
	s17 =	sshll.u32 s16, $0x4;
	v14 =	vld [tilespmem:s15+$0x8880];
	v8 =	vsel vm1, v54, v8;
	v10 =	vsel vm0, v22, v10;
	v43 =	vperm.xlane v11, v0  }
0xe7: {  	s21 =	spop (v2sf);
	s18 =	sand.u32 $0x7, s19;
	s1 =	sadd.s32 s0, s17;
	v51 =	vperm.xlane v7, v1;
	v7 =	vsel vm1, v52, v7;
	v38 =	vperm.xlane v8, v2  }
0xe8: {  	s19 =	sand.u32 $0x7, s21;
	s21 =	sshll.u32 s18, $0x4;
	v15 =	vld [tilespmem:s1+$0x8900];
	v41 =	vperm.xlane v12, v0;
	v9 =	vsel vm0, v9, v40;
	v58 =	vperm.xlane v10, v1  }
0xe9: {  	s11 =	sadd.s32 s0, s21;
	v6 =	vsel vm1, v6, v53;
	v36 =	vperm.xlane v7, v2;
	v45 =	vperm.xlane v13, v0  }
0xea: {  	s22 =	spop (v2sf);
	s24 =	sshll.u32 s19, $0x4;
	v17 =	vld [tilespmem:s11+$0x8980];
	v12 =	vsel vm0, v43, v12;
	v5 =	vsel vm1, v5, v51;
	v56 =	vperm.xlane v9, v1  }
0xeb: {  	s13 =	sand.u32 $0x7, s22;
	s12 =	sadd.s32 s0, s24;
	v34 =	vperm.xlane v6, v2;
	v11 =	vsel vm0, v11, v41;
	v44 =	vperm.xlane v14, v0  }
0xec: {  	s23 =	spop (v2sf);
	s15 =	sshll.u32 s13, $0x4;
	v19 =	vld [tilespmem:s12+$0x8A00];
	v57 =	vperm.xlane v12, v1;
	v12 =	vsel vm1, v58, v12;
	v32 =	vperm.xlane v5, v2  }
0xed: {  	s16 =	sand.u32 $0x7, s23;
	s1 =	sadd.s32 s0, s15;
	v24 =	vperm.xlane v15, v0;
	v14 =	vsel vm0, v45, v14;
	v55 =	vperm.xlane v11, v1  }
0xee: {  	s18 =	sshll.u32 s16, $0x4;
	v21 =	vld [tilespmem:s1+$0x8A80];
	v11 =	vsel vm1, v56, v11;
	v37 =	vperm.xlane v12, v2;
	v12 =	vsel vm2, v38, v12  }
0xef: {  	s17 =	spop (v2sf);
	s21 =	sadd.s32 s0, s18;
	v46 =	vperm.xlane v17, v0;
	v13 =	vsel vm0, v13, v44;
	v10 =	vsel vm1, v10, v57  }
0xf0: {  	s19 =	sand.u32 $0x7, s17;
	v23 =	vld [tilespmem:s21+$0x8B00];
	v62 =	vperm.xlane v14, v1;
	v35 =	vperm.xlane v11, v2;
	v11 =	vsel vm2, v36, v11  }
0xf1: {  	s22 =	sshll.u32 s19, $0x4;
	v17 =	vsel vm0, v24, v17;
	v48 =	vperm.xlane v19, v0;
	v9 =	vsel vm1, v9, v55  }
0xf2: {  	s0 =	sadd.s32 s0, s22;
	v60 =	vperm.xlane v13, v1;
	v33 =	vperm.xlane v10, v2;
	v10 =	vsel vm2, v34, v10  }
0xf3: {  	v42 =	vld [tilespmem:s0+$0x8B80];
	v8 =	vsel vm2, v8, v37;
	v47 =	vperm.xlane v21, v0;
	v15 =	vsel vm0, v15, v46  }
0xf4: {  	v61 =	vperm.xlane v17, v1;
	v17 =	vsel vm1, v62, v17;
	v31 =	vperm.xlane v9, v2  }
0xf5: {  	v9 =	vsel vm2, v32, v9;
	v7 =	vsel vm2, v7, v35;
	v50 =	vperm.xlane v23, v0  }
0xf6: {  	v18 =	vsel vm0, v48, v21;
	v59 =	vperm.xlane v15, v1;
	v15 =	vsel vm1, v60, v15  }
0xf7: {  	v6 =	vsel vm2, v6, v33;
	v46 =	vperm.xlane v17, v2;
	v16 =	vsel vm0, v19, v47  }
0xf8: {  	v49 =	vperm.xlane v42, v0;
	v14 =	vsel vm1, v14, v61;
	v30 =	vperm.xlane v18, v1  }
0xf9: {  	v5 =	vsel vm2, v5, v31;
	v44 =	vperm.xlane v15, v2;
	v20 =	vsel vm0, v50, v42  }
0xfa: {  	v13 =	vsel vm1, v13, v59;
	v28 =	vperm.xlane v16, v1;
	v42 =	vperm.xlane v14, v2  }
0xfb: {  	v19 =	vsel vm0, v23, v49;
	v29 =	vperm.xlane v20, v1;
	v20 =	vsel vm1, v30, v20  }
0xfc: {  	v40 =	vperm.xlane v13, v2;
	v63 =	vperm.xlane v19, v1;
	v19 =	vsel vm1, v28, v19  }
0xfd: {  	v45 =	vperm.xlane v20, v2;
	v20 =	vsel vm2, v46, v20;
	v18 =	vsel vm1, v18, v29  }
0xfe: {  	v43 =	vperm.xlane v19, v2;
	v19 =	vsel vm2, v44, v19;
	v41 =	vperm.xlane v18, v2  }
0xff: {  	v16 =	vsel vm1, v16, v63;
	v18 =	vsel vm2, v42, v18;
	v17 =	vsel vm2, v17, v45  }
0x100: {  	v52 =	vperm.xlane v19, v3;
	v39 =	vperm.xlane v16, v2;
	v14 =	vsel vm2, v14, v41  }
0x101: {  	v16 =	vsel vm2, v40, v16;
	v15 =	vsel vm2, v15, v43;
	v48 =	vperm.xlane v14, v3  }
0x102: {  	s23 =	sand.u32 $0x70, s28;
	s24 =	sand.u32 $0x400, s30;
	v50 =	vperm.xlane v17, v3;
	v49 =	vperm.xlane v15, v3;
	v54 =	vsel vm3, v11, v52  }
0x103: {  	s0 =	sor.u32 s23, s24;
	v13 =	vsel vm2, v13, v39;
	v56 =	vsel vm4, $0x0, v54;
	v4 =	vsel vm3, v6, v48  }
0x104: {  	v21 =	vsel vm3, v8, v50;
	v47 =	vperm.xlane v13, v3;
	[tilespmem:s0+$0x10F00] =	vst v56;
	v4 =	vsel vm4, $0x0, v4  }
0x105: {  	v23 =	vsel vm3, v7, v49;
	v21 =	vsel vm4, $0x0, v21;
	[tilespmem:s0+$0x10C80] =	vst v4;
	v4 =	vperm.xlane v18, v3  }
0x106: {  	v51 =	vperm.xlane v16, v3;
	v23 =	vsel vm4, $0x0, v23;
	[tilespmem:s0+$0x10D80] =	vst v21;
	v22 =	vsel vm3, v5, v47  }
0x107: {  	[tilespmem:s0+$0x10D00] =	vst v23;
	v5 =	vperm.xlane v5, v3;
	v22 =	vsel vm4, $0x0, v22;
	v4 =	vsel vm3, v10, v4  }
0x108: {  	v53 =	vperm.xlane v20, v3;
	[tilespmem:s0+$0x10C00] =	vst v22;
	v22 =	vsel vm3, v9, v51;
	v4 =	vsel vm4, $0x0, v4  }
0x109: {  	v5 =	vsel vm3, v5, v13;
	v22 =	vsel vm4, $0x0, v22;
	[tilespmem:s0+$0x10E80] =	vst v4;
	v4 =	vperm.xlane v6, v3  }
0x10a: {  	v55 =	vsel vm3, v12, v53;
	v7 =	vperm.xlane v7, v3;
	v5 =	vsel vm4, $0x0, v5;
	[tilespmem:s0+$0x10E00] =	vst v22  }
0x10b: {  	v8 =	vperm.xlane v8, v3;
	[tilespmem:s0+$0x11C00] =	vst v5;
	v6 =	vsel vm4, $0x0, v55;
	v4 =	vsel vm3, v4, v14  }
0x10c: {  	v58 =	vperm.xlane v9, v3;
	v57 =	vsel vm3, v7, v15;
	[tilespmem:s0+$0x10F80] =	vst v6;
	v4 =	vsel vm4, $0x0, v4  }
0x10d: {  	v59 =	vperm.xlane v10, v3;
	v5 =	vsel vm3, v8, v17;
	[tilespmem:s0+$0x11C80] =	vst v4;
	v4 =	vsel vm4, $0x0, v57  }
0x10e: {  	p0 =	sne.s32 s31, $0x1E000;
	v61 =	vperm.xlane v11, v3;
	v60 =	vsel vm3, v58, v16;
	[tilespmem:s0+$0x11D00] =	vst v4;
	v4 =	vsel vm4, $0x0, v5  }
.Ltmp2:
0x10f: {  	v62 =	vperm.xlane v12, v3;
	v5 =	vsel vm3, v59, v18;
	[tilespmem:s0+$0x11D80] =	vst v4;
	v4 =	vsel vm4, $0x0, v60;
	(pc) =	sbr.rel @p0 .LBB2_7-.Ltmp2, $4  }
0x110: {  	v63 =	vsel vm3, v61, v19;
	[tilespmem:s0+$0x11E00] =	vst v4;
	v4 =	vsel vm4, $0x0, v5  }
0x111: {  	v5 =	vsel vm3, v62, v20;
	[tilespmem:s0+$0x11E80] =	vst v4;
	v4 =	vsel vm4, $0x0, v63  }
0x112: {  	s29 =	sadd.s32 $0x10, s29;
	[tilespmem:s0+$0x11F00] =	vst v4;
	v4 =	vsel vm4, $0x0, v5  }
0x113: {  	s31 =	sadd.s32 $0x2000, s31;
	s30 =	sadd.s32 $0x80, s30;
	s28 =	sadd.s32 $0x10, s28;
	[tilespmem:s0+$0x11F80] =	vst v4  }
0x114: {  	s0 =	sshll.u32 s25, $0xF  }
0x115: {  	s1 =	simm.s32 $0x1000;
	s2 =	simm.s32 $0x20000;
	p0 =	sne.s32 s26, $0x32  }
.Ltmp3:
0x116: {  	s7 =	simm.s32 $0x10400;
	s0 =	sadd.s32 s0, s6;
	(pc) =	sbr.rel @p0 .LBB2_2-.Ltmp3, $4  }
0x117: {  	[hbm4b:s0+s1] =	stream.strided.scatter [tilespmem:s7], [sflag:$0x3], $0x2000, s2, s1, $0x38;
	[tilespmem:$0x12400] =	vst v63  }
0x118: {  	_ =	swait.ge [sflag:s10], $0x2000  }
0x119: {  	[sflag:s10] =	ssyncset.done $0x0  }
0x11a: {  	s25 =	smov.u32 s26;
	[sflag:s10] =	ssyncadd.s32 $0xFFFFE000  }
0x11b: {  	s1 =	rddreg [dreg:$0x5]  }
0x11c: {  	s0 =	rddreg [dreg:$0x4];
	s1 =	sadd.s32 $0x1, s1  }
0x11d: {  	p0 =	sne.s32 s1, s0  }
.Ltmp4:
0x11e: {  	_ = 	snop;
	(pc) =	sbr.rel @p0 .LBB2_1-.Ltmp4, $1  }
0x11f: {  	_ =	sdelay $0x3  }
0x120: {  	_ =	sfence.sel $0x180000  }
0x121: {  	[bflag:$0x0] =	sbarrier.arrive $0xFFFF  }
0x122: {  	_ =	strace $0x90000047  }
0x123: {  	s0 =	stileid.u32;
	[bflag:$0x2] =	sbarrier.arrive $0xFFFF  }
0x124: {  	p0 =	sne.s32 s0, $0x0;
	s0 =	rddreg [dreg:$0x3]  }
0x125: {  	s0 =	sadd.s32 @!p0 $0x100000, s0  }
0x126: {  	[sflag:s0] =	ssyncadd.tile.s32 @!p0 $0x1;
	_ =	shalt  }
.Lfunc_end2:
_tile_overlayer_lowered:
.L_overlay_start_2:
0x127: {  	(tag) =	ssettag $0x2  }
0x128: {  	s0 =	rddreg [dreg:$0x0];
	s2 =	stileid.u32  }
0x129: {  	s1 =	rddreg [dreg:$0x1];
	p0 =	sne.s32 s2, $0x0  }
0x12a: {  	s3 =	rddreg [dreg:$0x2];
	[bflag:$0x3] =	sbarrier.arrive $0xFFFF;
	s2 =	simm.s32 @!p0 $0x1C03  }
0x12b: {  	[timem:s3], [sflag:s2] =	dma.local @!p0 [hbm:s0], s1  }
0x12c: {  	s0 =	simm.s32 @!p0 $0x3  }
0x12d: {  	_ =	swait.ge @!p0 [sflag:s0], s1  }
0x12e: {  	s1 =	ssub.s32 @!p0 $0x0, s1;
	[sflag:s0] =	ssyncset.done @!p0 $0x0  }
0x12f: {  	[sflag:s0] =	ssyncadd.s32 @!p0 s1  }
0x130: {  	[bflag:$0x3] =	sbarrier.arrive $0xFFFF  }
0x131: {  	_ =	shalt  }

</sc_bundles>
